<compile_context>
chip_gen: v7x
topology: tpu7x:2x2x1
jax: 0.10.2.dev20260603
libtpu: 0.0.44.dev20260713+nightly
codegen_flags: <defaults>
</compile_context>

<pallas_src>
import functools

import jax
import jax.numpy as jnp
from jax import lax
from jax.experimental import pallas as pl
from jax.experimental.pallas import tpu as pltpu
from jax.experimental.pallas import tpu_sc as plsc

_DIM = 384
_E = 8192
_BLK = 1024
_NBLK = _E // _BLK
_EPAD = _E + _BLK
_CORR = 2 * 49 * 5 * 5
_SKK = 256
_SIJ = 1024
_NF = 32
_NW = 32
_BPW = _E // _NW


def _lnorm(x, g, b):
    m = jnp.mean(x, axis=-1, keepdims=True)
    xc = x - m
    v = jnp.mean(xc * xc, axis=-1, keepdims=True)
    return xc * lax.rsqrt(v + 1e-3) * g + b


def _blk_spec():
    return pl.BlockSpec((_BLK, _DIM), lambda i: (jnp.minimum(i, _NBLK - 1), 0))


def _full(shape):
    return pl.BlockSpec(shape, lambda i: (0,) * len(shape))


def _seg_spec():
    return pl.BlockSpec((1, 1, _BLK), lambda i: (i, 0, 0))


_CP = pltpu.CompilerParams(dimension_semantics=("arbitrary",))



def _k1_body(corr_ref, net_ref, inp_ref, w1, b1, w2, b2, lng, lnb, w3, b3,
             ng, nb, out_ref):
    i = pl.program_id(0)

    @pl.when(i < _NBLK)
    def _():
        c = jnp.dot(corr_ref[...], w1[...], preferred_element_type=jnp.float32)
        c = jnp.maximum(c + b1[...], 0.0)
        c = jnp.dot(c, w2[...], preferred_element_type=jnp.float32) + b2[...]
        c = jnp.maximum(_lnorm(c, lng[...], lnb[...]), 0.0)
        c = jnp.dot(c, w3[...], preferred_element_type=jnp.float32) + b3[...]
        x = net_ref[...] + inp_ref[...] + c
        out_ref[...] = _lnorm(x, ng[...], nb[...])

    @pl.when(i == _NBLK)
    def _():
        out_ref[...] = jnp.zeros_like(out_ref)


def _k1_call(corr2d, net2d, inp2d, p):
    return pl.pallas_call(
        _k1_body,
        grid=(_NBLK + 1,),
        in_specs=[
            pl.BlockSpec((_BLK, _CORR), lambda i: (jnp.minimum(i, _NBLK - 1), 0)),
            _blk_spec(), _blk_spec(),
            _full((_CORR, _DIM)), _full((1, _DIM)),
            _full((_DIM, _DIM)), _full((1, _DIM)),
            _full((1, _DIM)), _full((1, _DIM)),
            _full((_DIM, _DIM)), _full((1, _DIM)),
            _full((1, _DIM)), _full((1, _DIM)),
        ],
        out_specs=pl.BlockSpec((_BLK, _DIM), lambda i: (i, 0)),
        out_shape=jax.ShapeDtypeStruct((_EPAD, _DIM), jnp.float32),
        compiler_params=_CP,
    )(corr2d, net2d, inp2d,
      p['corr1_w'], p['corr1_b'].reshape(1, -1),
      p['corr2_w'], p['corr2_b'].reshape(1, -1),
      p['corr_ln_g'].reshape(1, -1), p['corr_ln_b'].reshape(1, -1),
      p['corr3_w'], p['corr3_b'].reshape(1, -1),
      p['norm_g'].reshape(1, -1), p['norm_b'].reshape(1, -1))



@functools.cache
def _sc_gather_kernel():
    @functools.partial(
        pl.kernel,
        out_type=jax.ShapeDtypeStruct((_E, _DIM), jnp.float32),
        mesh=plsc.VectorSubcoreMesh(core_axis_name="c", subcore_axis_name="s"),
        scratch_types=[
            pltpu.VMEM((128,), jnp.int32),
            pltpu.VMEM((128,), jnp.int32),
            pltpu.VMEM((_BPW, _DIM), jnp.float32),
            pltpu.SemaphoreType.DMA,
            pltpu.SemaphoreType.DMA,
        ],
    )
    def gather(table_hbm, idx_hbm, out_hbm, idx_a, idx_b, rows_v, sem0, sem1):
        wid = lax.axis_index("s") * 2 + lax.axis_index("c")
        pltpu.sync_copy(idx_hbm.at[wid * 2], idx_a)
        pltpu.sync_copy(idx_hbm.at[wid * 2 + 1], idx_b)
        c0 = pltpu.async_copy(table_hbm.at[idx_a],
                              rows_v.at[pl.ds(0, 128)], sem0)
        c1 = pltpu.async_copy(table_hbm.at[idx_b],
                              rows_v.at[pl.ds(128, 128)], sem1)
        c0.wait()
        c1.wait()
        pltpu.sync_copy(rows_v, out_hbm.at[pl.ds(wid * _BPW, _BPW)])
    return gather


def _sc_gather(table, idx):
    return table[idx.reshape(-1)]



def _k2_body(net_ref, h_ref, wa, ba, wb, bb, out_ref):
    i = pl.program_id(0)

    @pl.when(i < _NBLK)
    def _():
        t = jnp.maximum(jnp.dot(h_ref[...], wa[...],
                                preferred_element_type=jnp.float32) + ba[...], 0.0)
        out_ref[...] = net_ref[...] + jnp.dot(
            t, wb[...], preferred_element_type=jnp.float32) + bb[...]

    @pl.when(i == _NBLK)
    def _():
        out_ref[...] = jnp.zeros_like(out_ref)


def _k2_call(netz, h, p, pre):
    return pl.pallas_call(
        _k2_body,
        grid=(_NBLK + 1,),
        in_specs=[_blk_spec(), _blk_spec(),
                  _full((_DIM, _DIM)), _full((1, _DIM)),
                  _full((_DIM, _DIM)), _full((1, _DIM))],
        out_specs=pl.BlockSpec((_BLK, _DIM), lambda i: (i, 0)),
        out_shape=jax.ShapeDtypeStruct((_EPAD, _DIM), jnp.float32),
        compiler_params=_CP,
    )(netz, h,
      p[pre + 'a_w'], p[pre + 'a_b'].reshape(1, -1),
      p[pre + 'b_w'], p[pre + 'b_b'].reshape(1, -1))



def _k3_body(net_ref, h_ref, c2aw, c2ab, c2bw, c2bb, fw, fb, gw, gb,
             net3_ref, f_ref, g_ref, gmax_ref, mx):
    i = pl.program_id(0)
    t = jnp.maximum(jnp.dot(h_ref[...], c2aw[...],
                            preferred_element_type=jnp.float32) + c2ab[...], 0.0)
    n3 = net_ref[...] + jnp.dot(t, c2bw[...],
                                preferred_element_type=jnp.float32) + c2bb[...]
    net3_ref[...] = n3
    f = jnp.dot(n3, fw[...], preferred_element_type=jnp.float32) + fb[...]
    g = jnp.dot(n3, gw[...], preferred_element_type=jnp.float32) + gb[...]
    f_ref[...] = f
    g_ref[...] = g
    bm = jnp.max(g, axis=0, keepdims=True)

    @pl.when(i == 0)
    def _():
        mx[...] = bm

    @pl.when(i > 0)
    def _():
        mx[...] = jnp.maximum(mx[...], bm)

    @pl.when(i == _NBLK - 1)
    def _():
        gmax_ref[...] = mx[...]


def _k3_call(netz, h, p):
    return pl.pallas_call(
        _k3_body,
        grid=(_NBLK,),
        in_specs=[_blk_spec(), _blk_spec(),
                  _full((_DIM, _DIM)), _full((1, _DIM)),
                  _full((_DIM, _DIM)), _full((1, _DIM)),
                  _full((_DIM, _DIM)), _full((1, _DIM)),
                  _full((_DIM, _DIM)), _full((1, _DIM))],
        out_specs=[pl.BlockSpec((_BLK, _DIM), lambda i: (i, 0)),
                   pl.BlockSpec((_BLK, _DIM), lambda i: (i, 0)),
                   pl.BlockSpec((_BLK, _DIM), lambda i: (i, 0)),
                   _full((1, _DIM))],
        out_shape=[jax.ShapeDtypeStruct((_E, _DIM), jnp.float32),
                   jax.ShapeDtypeStruct((_E, _DIM), jnp.float32),
                   jax.ShapeDtypeStruct((_E, _DIM), jnp.float32),
                   jax.ShapeDtypeStruct((1, _DIM), jnp.float32)],
        scratch_shapes=[pltpu.VMEM((1, _DIM), jnp.float32)],
        compiler_params=_CP,
    )(netz, h,
      p['c2a_w'], p['c2a_b'].reshape(1, -1),
      p['c2b_w'], p['c2b_b'].reshape(1, -1),
      p['agg_kk_f_w'], p['agg_kk_f_b'].reshape(1, -1),
      p['agg_kk_g_w'], p['agg_kk_g_b'].reshape(1, -1))



def _agg_body(S):
    def body(f_ref, g_ref, gmax_ref, seg_ref, wh_ref, yh_ref, num, den):
        i = pl.program_id(0)
        w = jnp.exp(g_ref[...] - gmax_ref[...])
        M = (lax.broadcasted_iota(jnp.int32, (S, _BLK), 0)
             == seg_ref[0]).astype(jnp.float32)
        nu = jnp.dot(M, f_ref[...] * w, preferred_element_type=jnp.float32)
        de = jnp.dot(M, w, preferred_element_type=jnp.float32)

        @pl.when(i == 0)
        def _():
            num[...] = nu
            den[...] = de

        @pl.when(i > 0)
        def _():
            num[...] += nu
            den[...] += de

        @pl.when(i == _NBLK - 1)
        def _():
            d = den[...]
            y = num[...] / jnp.where(d > 0.0, d, 1.0)
            yh_ref[...] = jnp.dot(y, wh_ref[...],
                                  preferred_element_type=jnp.float32)
    return body


def _agg_call(S, f, g, gmax, seg3, wh):
    return pl.pallas_call(
        _agg_body(S),
        grid=(_NBLK,),
        in_specs=[_blk_spec(), _blk_spec(), _full((1, _DIM)), _seg_spec(),
                  _full((_DIM, _DIM))],
        out_specs=_full((S, _DIM)),
        out_shape=jax.ShapeDtypeStruct((S, _DIM), jnp.float32),
        scratch_shapes=[pltpu.VMEM((S, _DIM), jnp.float32),
                        pltpu.VMEM((S, _DIM), jnp.float32)],
        compiler_params=_CP,
    )(f, g, gmax, seg3, wh)



def _k5a_body(net3_ref, yh_ref, seg_ref, bh, fw, fb, gw, gb,
              net4_ref, f_ref, g_ref, gmax_ref, mx):
    i = pl.program_id(0)
    M = (lax.broadcasted_iota(jnp.int32, (_SKK, _BLK), 0)
         == seg_ref[0]).astype(jnp.float32)
    n4 = net3_ref[...] + lax.dot_general(
        M, yh_ref[...], (((0,), (0,)), ((), ())),
        preferred_element_type=jnp.float32) + bh[...]
    net4_ref[...] = n4
    f = jnp.dot(n4, fw[...], preferred_element_type=jnp.float32) + fb[...]
    g = jnp.dot(n4, gw[...], preferred_element_type=jnp.float32) + gb[...]
    f_ref[...] = f
    g_ref[...] = g
    bm = jnp.max(g, axis=0, keepdims=True)

    @pl.when(i == 0)
    def _():
        mx[...] = bm

    @pl.when(i > 0)
    def _():
        mx[...] = jnp.maximum(mx[...], bm)

    @pl.when(i == _NBLK - 1)
    def _():
        gmax_ref[...] = mx[...]


def _k5a_call(net3, yh1, kk3, p):
    return pl.pallas_call(
        _k5a_body,
        grid=(_NBLK,),
        in_specs=[_blk_spec(), _full((_SKK, _DIM)), _seg_spec(),
                  _full((1, _DIM)),
                  _full((_DIM, _DIM)), _full((1, _DIM)),
                  _full((_DIM, _DIM)), _full((1, _DIM))],
        out_specs=[pl.BlockSpec((_BLK, _DIM), lambda i: (i, 0)),
                   pl.BlockSpec((_BLK, _DIM), lambda i: (i, 0)),
                   pl.BlockSpec((_BLK, _DIM), lambda i: (i, 0)),
                   _full((1, _DIM))],
        out_shape=[jax.ShapeDtypeStruct((_E, _DIM), jnp.float32),
                   jax.ShapeDtypeStruct((_E, _DIM), jnp.float32),
                   jax.ShapeDtypeStruct((_E, _DIM), jnp.float32),
                   jax.ShapeDtypeStruct((1, _DIM), jnp.float32)],
        scratch_shapes=[pltpu.VMEM((1, _DIM), jnp.float32)],
        compiler_params=_CP,
    )(net3, yh1, kk3,
      p['agg_kk_h_b'].reshape(1, -1),
      p['agg_ij_f_w'], p['agg_ij_f_b'].reshape(1, -1),
      p['agg_ij_g_w'], p['agg_ij_g_b'].reshape(1, -1))



def _k6_body(net4_ref, yh_ref, seg_ref, bh, l1g, l1b, g1w, g1b, r1aw, r1ab,
             r1bw, r1bb, l2g, l2b, g2w, g2b, r2aw, r2ab, r2bw, r2bb,
             hw, hb, net_ref, dw_ref):
    M = (lax.broadcasted_iota(jnp.int32, (_SIJ, _BLK), 0)
         == seg_ref[0]).astype(jnp.float32)
    x = net4_ref[...] + lax.dot_general(
        M, yh_ref[...], (((0,), (0,)), ((), ())),
        preferred_element_type=jnp.float32) + bh[...]
    x = _lnorm(x, l1g[...], l1b[...])
    gate = jax.nn.sigmoid(jnp.dot(x, g1w[...],
                                  preferred_element_type=jnp.float32) + g1b[...])
    res = jnp.maximum(jnp.dot(x, r1aw[...],
                              preferred_element_type=jnp.float32) + r1ab[...], 0.0)
    res = jnp.dot(res, r1bw[...], preferred_element_type=jnp.float32) + r1bb[...]
    x = x + gate * res
    x = _lnorm(x, l2g[...], l2b[...])
    gate = jax.nn.sigmoid(jnp.dot(x, g2w[...],
                                  preferred_element_type=jnp.float32) + g2b[...])
    res = jnp.maximum(jnp.dot(x, r2aw[...],
                              preferred_element_type=jnp.float32) + r2ab[...], 0.0)
    res = jnp.dot(res, r2bw[...], preferred_element_type=jnp.float32) + r2bb[...]
    x = x + gate * res
    net_ref[...] = x
    r = jnp.maximum(x, 0.0)
    hd = jnp.dot(r, hw[...], preferred_element_type=jnp.float32) + hb[...]
    lane = lax.broadcasted_iota(jnp.int32, hd.shape, 1)
    dw_ref[...] = jnp.where(lane >= 128, jax.nn.sigmoid(hd), hd)


def _k6_call(net4, yh2, sij3, p, hw, hb):
    return pl.pallas_call(
        _k6_body,
        grid=(_NBLK,),
        in_specs=[_blk_spec(), _full((_SIJ, _DIM)), _seg_spec(),
                  _full((1, _DIM)),
                  _full((1, _DIM)), _full((1, _DIM)),
                  _full((_DIM, _DIM)), _full((1, _DIM)),
                  _full((_DIM, _DIM)), _full((1, _DIM)),
                  _full((_DIM, _DIM)), _full((1, _DIM)),
                  _full((1, _DIM)), _full((1, _DIM)),
                  _full((_DIM, _DIM)), _full((1, _DIM)),
                  _full((_DIM, _DIM)), _full((1, _DIM)),
                  _full((_DIM, _DIM)), _full((1, _DIM)),
                  _full((_DIM, 256)), _full((1, 256))],
        out_specs=[pl.BlockSpec((_BLK, _DIM), lambda i: (i, 0)),
                   pl.BlockSpec((_BLK, 256), lambda i: (i, 0))],
        out_shape=[jax.ShapeDtypeStruct((_E, _DIM), jnp.float32),
                   jax.ShapeDtypeStruct((_E, 256), jnp.float32)],
        compiler_params=_CP,
    )(net4, yh2, sij3,
      p['agg_ij_h_b'].reshape(1, -1),
      p['gru_ln1_g'].reshape(1, -1), p['gru_ln1_b'].reshape(1, -1),
      p['gru_gr1_gate_w'], p['gru_gr1_gate_b'].reshape(1, -1),
      p['gru_gr1_res1_w'], p['gru_gr1_res1_b'].reshape(1, -1),
      p['gru_gr1_res2_w'], p['gru_gr1_res2_b'].reshape(1, -1),
      p['gru_ln2_g'].reshape(1, -1), p['gru_ln2_b'].reshape(1, -1),
      p['gru_gr2_gate_w'], p['gru_gr2_gate_b'].reshape(1, -1),
      p['gru_gr2_res1_w'], p['gru_gr2_res1_b'].reshape(1, -1),
      p['gru_gr2_res2_w'], p['gru_gr2_res2_b'].reshape(1, -1),
      hw, hb)



def kernel(net, inp, corr, ii, jj, kk, params):
    p = params
    net2d, inp2d, corr2d = net[0], inp[0], corr[0]

    table = -jnp.ones((_SKK, _NF + 2), dtype=jnp.int32)
    table = table.at[kk, jj + 1].set(jnp.arange(_E, dtype=jnp.int32))
    ix = table[kk, jj]
    jx = table[kk, jj + 2]
    ixz = jnp.where(ix >= 0, ix, _E).reshape(_NW * 2, 128)
    jxz = jnp.where(jx >= 0, jx, _E).reshape(_NW * 2, 128)
    kk3 = kk.reshape(_NBLK, 1, _BLK)
    sij3 = (ii * _NF + jj).reshape(_NBLK, 1, _BLK)

    hw = jnp.zeros((_DIM, 256), jnp.float32)
    hw = hw.at[:, 0:2].set(p['d_w']).at[:, 128:130].set(p['w_w'])
    hb = jnp.zeros((1, 256), jnp.float32)
    hb = hb.at[0, 0:2].set(p['d_b']).at[0, 128:130].set(p['w_b'])

    net1z = _k1_call(corr2d, net2d, inp2d, p)
    h1 = _sc_gather(net1z, ixz)
    net2z = _k2_call(net1z, h1, p, 'c1')
    h2 = _sc_gather(net2z, jxz)
    net3, fkk, gkk, gmax1 = _k3_call(net2z, h2, p)
    yh1 = _agg_call(_SKK, fkk, gkk, gmax1, kk3, p['agg_kk_h_w'])
    net4, fij, gij, gmax2 = _k5a_call(net3, yh1, kk3, p)
    yh2 = _agg_call(_SIJ, fij, gij, gmax2, sij3, p['agg_ij_h_w'])
    net6, dw = _k6_call(net4, yh2, sij3, p, hw, hb)

    return net6[None], dw[:, 0:2][None], dw[:, 128:130][None]

# --- scband reference (transcript-rebuilt; emitter-appended) ---
"""Pipeline reference for scband-vonet-12584254177898 (READ-ONLY COPY).

The authoritative reference and input builder live on the scoring server;
editing this copy changes nothing except your own understanding.
"""

import jax, jax.numpy as jnp
import numpy as np

DIM = 384
P = 5
NUM_PATCHES = 256
NUM_FRAMES = 32
E = NUM_PATCHES * NUM_FRAMES
CORR_DIM = 2 * 49 * P * P

def _param_shapes():
    s = {}
    def lin(name, din, dout):
        s[name + '_w'] = (din, dout)
        s[name + '_b'] = (dout,)
    def ln(name):
        s[name + '_g'] = (DIM,)
        s[name + '_b'] = (DIM,)
    lin('corr1', CORR_DIM, DIM); lin('corr2', DIM, DIM); ln('corr_ln'); lin('corr3', DIM, DIM)
    ln('norm')
    lin('c1a', DIM, DIM); lin('c1b', DIM, DIM)
    lin('c2a', DIM, DIM); lin('c2b', DIM, DIM)
    for agg in ('agg_kk', 'agg_ij'):
        lin(agg + '_f', DIM, DIM); lin(agg + '_g', DIM, DIM); lin(agg + '_h', DIM, DIM)
    ln('gru_ln1'); ln('gru_ln2')
    for gr in ('gru_gr1', 'gru_gr2'):
        lin(gr + '_gate', DIM, DIM); lin(gr + '_res1', DIM, DIM); lin(gr + '_res2', DIM, DIM)
    lin('d', DIM, 2); lin('w', DIM, 2)
    return s

def _make_params(key):
    shapes = _param_shapes()
    params = {}
    keys = jax.random.split(key, len(shapes))
    for k, (name, shape) in zip(keys, sorted(shapes.items())):
        if name.endswith('_w'):
            params[name] = jax.random.normal(k, shape, dtype=jnp.float32) * 0.02
        elif name.endswith('_g'):
            params[name] = jnp.ones(shape, dtype=jnp.float32)
        else:
            params[name] = jnp.zeros(shape, dtype=jnp.float32)
    return params

def _lin(p, name, x):
    return x @ p[name + '_w'] + p[name + '_b']

def _ln(p, name, x, eps=1e-3):
    m = jnp.mean(x, axis=-1, keepdims=True)
    v = jnp.var(x, axis=-1, keepdims=True)
    return (x - m) / jnp.sqrt(v + eps) * p[name + '_g'] + p[name + '_b']

def _gated_residual(p, name, x):
    gate = jax.nn.sigmoid(_lin(p, name + '_gate', x))
    res = _lin(p, name + '_res2', jax.nn.relu(_lin(p, name + '_res1', x)))
    return x + gate * res

def _soft_agg(p, name, x, seg, num_segments):
    f = _lin(p, name + '_f', x)[0]
    g = _lin(p, name + '_g', x)[0]
    gmax = jax.ops.segment_max(g, seg, num_segments=num_segments)
    gmax = jnp.where(jnp.isfinite(gmax), gmax, 0.0)
    w = jnp.exp(g - gmax[seg])
    denom = jax.ops.segment_sum(w, seg, num_segments=num_segments)
    wn = w / denom[seg]
    y = jax.ops.segment_sum(f * wn, seg, num_segments=num_segments)
    return _lin(p, name + '_h', y)[seg][None]

def _neighbors(kk, jj):
    table = -jnp.ones((NUM_PATCHES, NUM_FRAMES + 2), dtype=jnp.int32)
    table = table.at[kk, jj + 1].set(jnp.arange(E, dtype=jnp.int32))
    ix = table[kk, jj]
    jx = table[kk, jj + 2]
    return ix, jx

def _update_forward(p, net, inp, corr, ii, jj, kk):
    c = _lin(p, 'corr1', corr)
    c = jax.nn.relu(c)
    c = _lin(p, 'corr2', c)
    c = _ln(p, 'corr_ln', c)
    c = jax.nn.relu(c)
    c = _lin(p, 'corr3', c)
    net = net + inp + c
    net = _ln(p, 'norm', net)
    ix, jx = _neighbors(kk, jj)
    mask_ix = (ix >= 0).astype(net.dtype).reshape(1, -1, 1)
    mask_jx = (jx >= 0).astype(net.dtype).reshape(1, -1, 1)
    h1 = mask_ix * net[:, jnp.maximum(ix, 0)]
    net = net + _lin(p, 'c1b', jax.nn.relu(_lin(p, 'c1a', h1)))
    h2 = mask_jx * net[:, jnp.maximum(jx, 0)]
    net = net + _lin(p, 'c2b', jax.nn.relu(_lin(p, 'c2a', h2)))
    net = net + _soft_agg(p, 'agg_kk', net, kk, NUM_PATCHES)
    seg_ij = ii * NUM_FRAMES + jj
    net = net + _soft_agg(p, 'agg_ij', net, seg_ij, NUM_FRAMES * NUM_FRAMES)
    g = _ln(p, 'gru_ln1', net)
    g = _gated_residual(p, 'gru_gr1', g)
    g = _ln(p, 'gru_ln2', g)
    net = _gated_residual(p, 'gru_gr2', g)
    d_out = _lin(p, 'd', jax.nn.relu(net))
    w_out = jax.nn.sigmoid(_lin(p, 'w', jax.nn.relu(net)))
    return net, d_out, w_out

def setup_inputs(seed: int = 0):
    key = jax.random.key(seed)
    ks = jax.random.split(key, 7)
    return {
        'net': jax.random.normal(ks[0], (1, E, DIM), dtype=jnp.float32),
        'inp': jax.random.normal(ks[1], (1, E, DIM), dtype=jnp.float32),
        'corr': jax.random.normal(ks[2], (1, E, CORR_DIM), dtype=jnp.float32),
        'ii': jax.random.randint(ks[3], (E,), 0, NUM_FRAMES, dtype=jnp.int32),
        'jj': jax.random.randint(ks[4], (E,), 0, NUM_FRAMES, dtype=jnp.int32),
        'kk': jax.random.randint(ks[5], (E,), 0, NUM_PATCHES, dtype=jnp.int32),
        'params': _make_params(ks[6]),
    }

def reference(net, inp, corr, ii, jj, kk, params):
    return _update_forward(params, net, inp, corr, ii, jj, kk)

if __name__ == "__main__":
    import jax
    _d = setup_inputs()
    print(jax.jit(kernel)(*tuple(_d.values())))

</pallas_src>

<mosaic_0001>
module attributes {stable_mosaic.version = 14 : i64} {
  func.func @_k2_body(%arg0: i32, %arg1: memref<1024x384xf32, #tpu.memory_space<vmem>>, %arg2: memref<1024x384xf32, #tpu.memory_space<vmem>>, %arg3: memref<384x384xf32, #tpu.memory_space<vmem>>, %arg4: memref<1x384xf32, #tpu.memory_space<vmem>>, %arg5: memref<384x384xf32, #tpu.memory_space<vmem>>, %arg6: memref<1x384xf32, #tpu.memory_space<vmem>>, %arg7: memref<1024x384xf32, #tpu.memory_space<vmem>>) attributes {dimension_semantics = [#tpu.dimension_semantics<arbitrary>], iteration_bounds = array<i64: 9>, scalar_prefetch = 0 : i64, scratch_operands = 0 : i64, tpu.core_type = #tpu.core_type<tc>, window_params = [{transform_indices = @transform_0, window_bounds = array<i64: 1024, 384>}, {transform_indices = @transform_1, window_bounds = array<i64: 1024, 384>}, {pipeline_mode = #tpu.pipeline_mode<synchronous>, transform_indices = @transform_2, window_bounds = array<i64: 384, 384>}, {pipeline_mode = #tpu.pipeline_mode<synchronous>, transform_indices = @transform_3, window_bounds = array<i64: 1, 384>}, {pipeline_mode = #tpu.pipeline_mode<synchronous>, transform_indices = @transform_4, window_bounds = array<i64: 384, 384>}, {pipeline_mode = #tpu.pipeline_mode<synchronous>, transform_indices = @transform_5, window_bounds = array<i64: 1, 384>}, {transform_indices = @transform_6, window_bounds = array<i64: 1024, 384>}]} {
    %lt3A = arith.constant 8 : i32
    %lt3A_0 = arith.cmpi slt, %arg0, %lt3A : i32
    %convert_element_type3A = arith.extui %lt3A_0 : i1 to i32
    %cond3A = arith.constant 0 : i32
    %cond3A_1 = arith.cmpi ne, %convert_element_type3A, %cond3A : i32
    scf.if %cond3A_1 {
      %get3A = arith.constant 0 : index
      %get3A_6 = arith.constant 0 : index
      %get3A_7 = vector.load %arg2[%get3A, %get3A_6] : memref<1024x384xf32, #tpu.memory_space<vmem>>, vector<1024x384xf32>
      %get3A_8 = arith.constant 0 : index
      %get3A_9 = arith.constant 0 : index
      %get3A_10 = vector.load %arg3[%get3A_8, %get3A_9] : memref<384x384xf32, #tpu.memory_space<vmem>>, vector<384x384xf32>
      %dot_general3A = arith.constant dense<0.000000e+00> : vector<1024x384xf32>
      %dot_general3A_11 = tpu.matmul %get3A_7, %get3A_10, %dot_general3A {dimension_numbers = #tpu.dot_dimension_numbers<[1], [0], [0], [1], [0, 0, 1, 1], [], []>, transpose_lhs_hint = false} : vector<1024x384xf32>, vector<384x384xf32>, vector<1024x384xf32> -> vector<1024x384xf32>
      %get3A_12 = arith.constant 0 : index
      %get3A_13 = arith.constant 0 : index
      %get3A_14 = vector.load %arg4[%get3A_12, %get3A_13] : memref<1x384xf32, #tpu.memory_space<vmem>>, vector<1x384xf32>
      %add3A = vector.broadcast %get3A_14 : vector<1x384xf32> to vector<1024x384xf32>
      %add3A_15 = arith.addf %dot_general3A_11, %add3A : vector<1024x384xf32>
      %max3A = arith.constant 0.000000e+00 : f32
      %max3A_16 = vector.broadcast %max3A : f32 to vector<1024x384xf32>
      %max3A_17 = arith.maximumf %add3A_15, %max3A_16 : vector<1024x384xf32>
      %get3A_18 = arith.constant 0 : index
      %get3A_19 = arith.constant 0 : index
      %get3A_20 = vector.load %arg1[%get3A_18, %get3A_19] : memref<1024x384xf32, #tpu.memory_space<vmem>>, vector<1024x384xf32>
      %get3A_21 = arith.constant 0 : index
      %get3A_22 = arith.constant 0 : index
      %get3A_23 = vector.load %arg5[%get3A_21, %get3A_22] : memref<384x384xf32, #tpu.memory_space<vmem>>, vector<384x384xf32>
      %dot_general3A_24 = arith.constant dense<0.000000e+00> : vector<1024x384xf32>
      %dot_general3A_25 = tpu.matmul %max3A_17, %get3A_23, %dot_general3A_24 {dimension_numbers = #tpu.dot_dimension_numbers<[1], [0], [0], [1], [0, 0, 1, 1], [], []>, transpose_lhs_hint = false} : vector<1024x384xf32>, vector<384x384xf32>, vector<1024x384xf32> -> vector<1024x384xf32>
      %add3A_26 = arith.addf %get3A_20, %dot_general3A_25 : vector<1024x384xf32>
      %get3A_27 = arith.constant 0 : index
      %get3A_28 = arith.constant 0 : index
      %get3A_29 = vector.load %arg6[%get3A_27, %get3A_28] : memref<1x384xf32, #tpu.memory_space<vmem>>, vector<1x384xf32>
      %add3A_30 = vector.broadcast %get3A_29 : vector<1x384xf32> to vector<1024x384xf32>
      %add3A_31 = arith.addf %add3A_26, %add3A_30 : vector<1024x384xf32>
      %swap3A = arith.constant 0 : index
      %swap3A_32 = arith.constant 0 : index
      %swap3A_33 = vector.load %arg7[%swap3A, %swap3A_32] : memref<1024x384xf32, #tpu.memory_space<vmem>>, vector<1024x384xf32>
      tpu.vector_store %arg7[%swap3A, %swap3A_32], %add3A_31 {strides = array<i32>} : memref<1024x384xf32, #tpu.memory_space<vmem>>, vector<1024x384xf32>,
    } else {
    }
    %eq3A = arith.constant 8 : i32
    %eq3A_2 = arith.cmpi eq, %arg0, %eq3A : i32
    %convert_element_type3A_3 = arith.extui %eq3A_2 : i1 to i32
    %cond3A_4 = arith.constant 0 : i32
    %cond3A_5 = arith.cmpi ne, %convert_element_type3A_3, %cond3A_4 : i32
    scf.if %cond3A_5 {
      %broadcast_in_dim3A = arith.constant 0.000000e+00 : f32
      %broadcast_in_dim3A_6 = vector.broadcast %broadcast_in_dim3A : f32 to vector<1024x384xf32>
      %swap3A = arith.constant 0 : index
      %swap3A_7 = arith.constant 0 : index
      %swap3A_8 = vector.load %arg7[%swap3A, %swap3A_7] : memref<1024x384xf32, #tpu.memory_space<vmem>>, vector<1024x384xf32>
      tpu.vector_store %arg7[%swap3A, %swap3A_7], %broadcast_in_dim3A_6 {strides = array<i32>} : memref<1024x384xf32, #tpu.memory_space<vmem>>, vector<1024x384xf32>,
    } else {
    }
    return
  }
  func.func @transform_0(%arg0: i32) -> (i32, i32) {
    %min3A = arith.constant 7 : i32
    %min3A_0 = arith.minsi %arg0, %min3A : i32
    %c0_i32 = arith.constant 0 : i32
    %c0_i32_1 = arith.constant 0 : i32
    return %min3A_0, %c0_i32 : i32, i32
  }
  func.func @transform_1(%arg0: i32) -> (i32, i32) {
    %min3A = arith.constant 7 : i32
    %min3A_0 = arith.minsi %arg0, %min3A : i32
    %c0_i32 = arith.constant 0 : i32
    %c0_i32_1 = arith.constant 0 : i32
    return %min3A_0, %c0_i32 : i32, i32
  }
  func.func @transform_2(%arg0: i32) -> (i32, i32) {
    %c0_i32 = arith.constant 0 : i32
    %c0_i32_0 = arith.constant 0 : i32
    %c0_i32_1 = arith.constant 0 : i32
    return %c0_i32, %c0_i32_0 : i32, i32
  }
  func.func @transform_3(%arg0: i32) -> (i32, i32) {
    %c0_i32 = arith.constant 0 : i32
    %c0_i32_0 = arith.constant 0 : i32
    %c0_i32_1 = arith.constant 0 : i32
    return %c0_i32, %c0_i32_0 : i32, i32
  }
  func.func @transform_4(%arg0: i32) -> (i32, i32) {
    %c0_i32 = arith.constant 0 : i32
    %c0_i32_0 = arith.constant 0 : i32
    %c0_i32_1 = arith.constant 0 : i32
    return %c0_i32, %c0_i32_0 : i32, i32
  }
  func.func @transform_5(%arg0: i32) -> (i32, i32) {
    %c0_i32 = arith.constant 0 : i32
    %c0_i32_0 = arith.constant 0 : i32
    %c0_i32_1 = arith.constant 0 : i32
    return %c0_i32, %c0_i32_0 : i32, i32
  }
  func.func @transform_6(%arg0: i32) -> (i32, i32) {
    %c0_i32 = arith.constant 0 : i32
    %c0_i32_0 = arith.constant 0 : i32
    return %arg0, %c0_i32 : i32, i32
  }
}

module attributes {stable_mosaic.version = 14 : i64} {
  func.func @_k1_body(%arg0: i32, %arg1: memref<1024x2450xf32, #tpu.memory_space<vmem>>, %arg2: memref<1024x384xf32, #tpu.memory_space<vmem>>, %arg3: memref<1024x384xf32, #tpu.memory_space<vmem>>, %arg4: memref<2450x384xf32, #tpu.memory_space<vmem>>, %arg5: memref<1x384xf32, #tpu.memory_space<vmem>>, %arg6: memref<384x384xf32, #tpu.memory_space<vmem>>, %arg7: memref<1x384xf32, #tpu.memory_space<vmem>>, %arg8: memref<1x384xf32, #tpu.memory_space<vmem>>, %arg9: memref<1x384xf32, #tpu.memory_space<vmem>>, %arg10: memref<384x384xf32, #tpu.memory_space<vmem>>, %arg11: memref<1x384xf32, #tpu.memory_space<vmem>>, %arg12: memref<1x384xf32, #tpu.memory_space<vmem>>, %arg13: memref<1x384xf32, #tpu.memory_space<vmem>>, %arg14: memref<1024x384xf32, #tpu.memory_space<vmem>>) attributes {dimension_semantics = [#tpu.dimension_semantics<arbitrary>], iteration_bounds = array<i64: 9>, scalar_prefetch = 0 : i64, scratch_operands = 0 : i64, tpu.core_type = #tpu.core_type<tc>, window_params = [{transform_indices = @transform_0, window_bounds = array<i64: 1024, 2450>}, {transform_indices = @transform_1, window_bounds = array<i64: 1024, 384>}, {transform_indices = @transform_2, window_bounds = array<i64: 1024, 384>}, {pipeline_mode = #tpu.pipeline_mode<synchronous>, transform_indices = @transform_3, window_bounds = array<i64: 2450, 384>}, {pipeline_mode = #tpu.pipeline_mode<synchronous>, transform_indices = @transform_4, window_bounds = array<i64: 1, 384>}, {pipeline_mode = #tpu.pipeline_mode<synchronous>, transform_indices = @transform_5, window_bounds = array<i64: 384, 384>}, {pipeline_mode = #tpu.pipeline_mode<synchronous>, transform_indices = @transform_6, window_bounds = array<i64: 1, 384>}, {pipeline_mode = #tpu.pipeline_mode<synchronous>, transform_indices = @transform_7, window_bounds = array<i64: 1, 384>}, {pipeline_mode = #tpu.pipeline_mode<synchronous>, transform_indices = @transform_8, window_bounds = array<i64: 1, 384>}, {pipeline_mode = #tpu.pipeline_mode<synchronous>, transform_indices = @transform_9, window_bounds = array<i64: 384, 384>}, {pipeline_mode = #tpu.pipeline_mode<synchronous>, transform_indices = @transform_10, window_bounds = array<i64: 1, 384>}, {pipeline_mode = #tpu.pipeline_mode<synchronous>, transform_indices = @transform_11, window_bounds = array<i64: 1, 384>}, {pipeline_mode = #tpu.pipeline_mode<synchronous>, transform_indices = @transform_12, window_bounds = array<i64: 1, 384>}, {transform_indices = @transform_13, window_bounds = array<i64: 1024, 384>}]} {
    %lt3A = arith.constant 8 : i32
    %lt3A_0 = arith.cmpi slt, %arg0, %lt3A : i32
    %convert_element_type3A = arith.extui %lt3A_0 : i1 to i32
    %cond3A = arith.constant 0 : i32
    %cond3A_1 = arith.cmpi ne, %convert_element_type3A, %cond3A : i32
    scf.if %cond3A_1 {
      %get3A = arith.constant 0 : index
      %get3A_6 = arith.constant 0 : index
      %get3A_7 = vector.load %arg1[%get3A, %get3A_6] : memref<1024x2450xf32, #tpu.memory_space<vmem>>, vector<1024x2450xf32>
      %get3A_8 = arith.constant 0 : index
      %get3A_9 = arith.constant 0 : index
      %get3A_10 = vector.load %arg4[%get3A_8, %get3A_9] : memref<2450x384xf32, #tpu.memory_space<vmem>>, vector<2450x384xf32>
      %dot_general3A = arith.constant dense<0.000000e+00> : vector<1024x384xf32>
      %dot_general3A_11 = tpu.matmul %get3A_7, %get3A_10, %dot_general3A {dimension_numbers = #tpu.dot_dimension_numbers<[1], [0], [0], [1], [0, 0, 1, 1], [], []>, transpose_lhs_hint = false} : vector<1024x2450xf32>, vector<2450x384xf32>, vector<1024x384xf32> -> vector<1024x384xf32>
      %get3A_12 = arith.constant 0 : index
      %get3A_13 = arith.constant 0 : index
      %get3A_14 = vector.load %arg5[%get3A_12, %get3A_13] : memref<1x384xf32, #tpu.memory_space<vmem>>, vector<1x384xf32>
      %add3A = vector.broadcast %get3A_14 : vector<1x384xf32> to vector<1024x384xf32>
      %add3A_15 = arith.addf %dot_general3A_11, %add3A : vector<1024x384xf32>
      %max3A = arith.constant 0.000000e+00 : f32
      %max3A_16 = vector.broadcast %max3A : f32 to vector<1024x384xf32>
      %max3A_17 = arith.maximumf %add3A_15, %max3A_16 : vector<1024x384xf32>
      %get3A_18 = arith.constant 0 : index
      %get3A_19 = arith.constant 0 : index
      %get3A_20 = vector.load %arg6[%get3A_18, %get3A_19] : memref<384x384xf32, #tpu.memory_space<vmem>>, vector<384x384xf32>
      %dot_general3A_21 = arith.constant dense<0.000000e+00> : vector<1024x384xf32>
      %dot_general3A_22 = tpu.matmul %max3A_17, %get3A_20, %dot_general3A_21 {dimension_numbers = #tpu.dot_dimension_numbers<[1], [0], [0], [1], [0, 0, 1, 1], [], []>, transpose_lhs_hint = false} : vector<1024x384xf32>, vector<384x384xf32>, vector<1024x384xf32> -> vector<1024x384xf32>
      %get3A_23 = arith.constant 0 : index
      %get3A_24 = arith.constant 0 : index
      %get3A_25 = vector.load %arg7[%get3A_23, %get3A_24] : memref<1x384xf32, #tpu.memory_space<vmem>>, vector<1x384xf32>
      %add3A_26 = vector.broadcast %get3A_25 : vector<1x384xf32> to vector<1024x384xf32>
      %add3A_27 = arith.addf %dot_general3A_22, %add3A_26 : vector<1024x384xf32>
      %get3A_28 = arith.constant 0 : index
      %get3A_29 = arith.constant 0 : index
      %get3A_30 = vector.load %arg8[%get3A_28, %get3A_29] : memref<1x384xf32, #tpu.memory_space<vmem>>, vector<1x384xf32>
      %get3A_31 = arith.constant 0 : index
      %get3A_32 = arith.constant 0 : index
      %get3A_33 = vector.load %arg9[%get3A_31, %get3A_32] : memref<1x384xf32, #tpu.memory_space<vmem>>, vector<1x384xf32>
      %reduce_sum3A = arith.constant dense<0.000000e+00> : vector<1024xf32>
      %reduce_sum3A_34 = vector.multi_reduction <add>, %add3A_27, %reduce_sum3A [1] : vector<1024x384xf32> to vector<1024xf32>
      %broadcast_in_dim3A = vector.shape_cast %reduce_sum3A_34 : vector<1024xf32> to vector<1024x1xf32>
      %div3A = arith.constant 3.840000e+02 : f32
      %div3A_35 = vector.broadcast %div3A : f32 to vector<1024x1xf32>
      %div3A_36 = arith.divf %broadcast_in_dim3A, %div3A_35 : vector<1024x1xf32>
      %sub3A = vector.broadcast %div3A_36 : vector<1024x1xf32> to vector<1024x384xf32>
      %sub3A_37 = arith.subf %add3A_27, %sub3A : vector<1024x384xf32>
      %mul3A = arith.mulf %sub3A_37, %sub3A_37 : vector<1024x384xf32>
      %reduce_sum3A_38 = arith.constant dense<0.000000e+00> : vector<1024xf32>
      %reduce_sum3A_39 = vector.multi_reduction <add>, %mul3A, %reduce_sum3A_38 [1] : vector<1024x384xf32> to vector<1024xf32>
      %broadcast_in_dim3A_40 = vector.shape_cast %reduce_sum3A_39 : vector<1024xf32> to vector<1024x1xf32>
      %div3A_41 = arith.constant 3.840000e+02 : f32
      %div3A_42 = vector.broadcast %div3A_41 : f32 to vector<1024x1xf32>
      %div3A_43 = arith.divf %broadcast_in_dim3A_40, %div3A_42 : vector<1024x1xf32>
      %add3A_44 = arith.constant 1.000000e-03 : f32
      %add3A_45 = vector.broadcast %add3A_44 : f32 to vector<1024x1xf32>
      %add3A_46 = arith.addf %div3A_43, %add3A_45 : vector<1024x1xf32>
      %rsqrt3A = math.rsqrt %add3A_46 : vector<1024x1xf32>
      %mul3A_47 = vector.broadcast %rsqrt3A : vector<1024x1xf32> to vector<1024x384xf32>
      %mul3A_48 = arith.mulf %sub3A_37, %mul3A_47 : vector<1024x384xf32>
      %mul3A_49 = vector.broadcast %get3A_30 : vector<1x384xf32> to vector<1024x384xf32>
      %mul3A_50 = arith.mulf %mul3A_48, %mul3A_49 : vector<1024x384xf32>
      %add3A_51 = vector.broadcast %get3A_33 : vector<1x384xf32> to vector<1024x384xf32>
      %add3A_52 = arith.addf %mul3A_50, %add3A_51 : vector<1024x384xf32>
      %max3A_53 = arith.constant 0.000000e+00 : f32
      %max3A_54 = vector.broadcast %max3A_53 : f32 to vector<1024x384xf32>
      %max3A_55 = arith.maximumf %add3A_52, %max3A_54 : vector<1024x384xf32>
      %get3A_56 = arith.constant 0 : index
      %get3A_57 = arith.constant 0 : index
      %get3A_58 = vector.load %arg10[%get3A_56, %get3A_57] : memref<384x384xf32, #tpu.memory_space<vmem>>, vector<384x384xf32>
      %dot_general3A_59 = arith.constant dense<0.000000e+00> : vector<1024x384xf32>
      %dot_general3A_60 = tpu.matmul %max3A_55, %get3A_58, %dot_general3A_59 {dimension_numbers = #tpu.dot_dimension_numbers<[1], [0], [0], [1], [0, 0, 1, 1], [], []>, transpose_lhs_hint = false} : vector<1024x384xf32>, vector<384x384xf32>, vector<1024x384xf32> -> vector<1024x384xf32>
      %get3A_61 = arith.constant 0 : index
      %get3A_62 = arith.constant 0 : index
      %get3A_63 = vector.load %arg11[%get3A_61, %get3A_62] : memref<1x384xf32, #tpu.memory_space<vmem>>, vector<1x384xf32>
      %add3A_64 = vector.broadcast %get3A_63 : vector<1x384xf32> to vector<1024x384xf32>
      %add3A_65 = arith.addf %dot_general3A_60, %add3A_64 : vector<1024x384xf32>
      %get3A_66 = arith.constant 0 : index
      %get3A_67 = arith.constant 0 : index
      %get3A_68 = vector.load %arg2[%get3A_66, %get3A_67] : memref<1024x384xf32, #tpu.memory_space<vmem>>, vector<1024x384xf32>
      %get3A_69 = arith.constant 0 : index
      %get3A_70 = arith.constant 0 : index
      %get3A_71 = vector.load %arg3[%get3A_69, %get3A_70] : memref<1024x384xf32, #tpu.memory_space<vmem>>, vector<1024x384xf32>
      %add3A_72 = arith.addf %get3A_68, %get3A_71 : vector<1024x384xf32>
      %add3A_73 = arith.addf %add3A_72, %add3A_65 : vector<1024x384xf32>
      %get3A_74 = arith.constant 0 : index
      %get3A_75 = arith.constant 0 : index
      %get3A_76 = vector.load %arg12[%get3A_74, %get3A_75] : memref<1x384xf32, #tpu.memory_space<vmem>>, vector<1x384xf32>
      %get3A_77 = arith.constant 0 : index
      %get3A_78 = arith.constant 0 : index
      %get3A_79 = vector.load %arg13[%get3A_77, %get3A_78] : memref<1x384xf32, #tpu.memory_space<vmem>>, vector<1x384xf32>
      %reduce_sum3A_80 = arith.constant dense<0.000000e+00> : vector<1024xf32>
      %reduce_sum3A_81 = vector.multi_reduction <add>, %add3A_73, %reduce_sum3A_80 [1] : vector<1024x384xf32> to vector<1024xf32>
      %broadcast_in_dim3A_82 = vector.shape_cast %reduce_sum3A_81 : vector<1024xf32> to vector<1024x1xf32>
      %div3A_83 = arith.constant 3.840000e+02 : f32
      %div3A_84 = vector.broadcast %div3A_83 : f32 to vector<1024x1xf32>
      %div3A_85 = arith.divf %broadcast_in_dim3A_82, %div3A_84 : vector<1024x1xf32>
      %sub3A_86 = vector.broadcast %div3A_85 : vector<1024x1xf32> to vector<1024x384xf32>
      %sub3A_87 = arith.subf %add3A_73, %sub3A_86 : vector<1024x384xf32>
      %mul3A_88 = arith.mulf %sub3A_87, %sub3A_87 : vector<1024x384xf32>
      %reduce_sum3A_89 = arith.constant dense<0.000000e+00> : vector<1024xf32>
      %reduce_sum3A_90 = vector.multi_reduction <add>, %mul3A_88, %reduce_sum3A_89 [1] : vector<1024x384xf32> to vector<1024xf32>
      %broadcast_in_dim3A_91 = vector.shape_cast %reduce_sum3A_90 : vector<1024xf32> to vector<1024x1xf32>
      %div3A_92 = arith.constant 3.840000e+02 : f32
      %div3A_93 = vector.broadcast %div3A_92 : f32 to vector<1024x1xf32>
      %div3A_94 = arith.divf %broadcast_in_dim3A_91, %div3A_93 : vector<1024x1xf32>
      %add3A_95 = arith.constant 1.000000e-03 : f32
      %add3A_96 = vector.broadcast %add3A_95 : f32 to vector<1024x1xf32>
      %add3A_97 = arith.addf %div3A_94, %add3A_96 : vector<1024x1xf32>
      %rsqrt3A_98 = math.rsqrt %add3A_97 : vector<1024x1xf32>
      %mul3A_99 = vector.broadcast %rsqrt3A_98 : vector<1024x1xf32> to vector<1024x384xf32>
      %mul3A_100 = arith.mulf %sub3A_87, %mul3A_99 : vector<1024x384xf32>
      %mul3A_101 = vector.broadcast %get3A_76 : vector<1x384xf32> to vector<1024x384xf32>
      %mul3A_102 = arith.mulf %mul3A_100, %mul3A_101 : vector<1024x384xf32>
      %add3A_103 = vector.broadcast %get3A_79 : vector<1x384xf32> to vector<1024x384xf32>
      %add3A_104 = arith.addf %mul3A_102, %add3A_103 : vector<1024x384xf32>
      %swap3A = arith.constant 0 : index
      %swap3A_105 = arith.constant 0 : index
      %swap3A_106 = vector.load %arg14[%swap3A, %swap3A_105] : memref<1024x384xf32, #tpu.memory_space<vmem>>, vector<1024x384xf32>
      tpu.vector_store %arg14[%swap3A, %swap3A_105], %add3A_104 {strides = array<i32>} : memref<1024x384xf32, #tpu.memory_space<vmem>>, vector<1024x384xf32>,
    } else {
    }
    %eq3A = arith.constant 8 : i32
    %eq3A_2 = arith.cmpi eq, %arg0, %eq3A : i32
    %convert_element_type3A_3 = arith.extui %eq3A_2 : i1 to i32
    %cond3A_4 = arith.constant 0 : i32
    %cond3A_5 = arith.cmpi ne, %convert_element_type3A_3, %cond3A_4 : i32
    scf.if %cond3A_5 {
      %broadcast_in_dim3A = arith.constant 0.000000e+00 : f32
      %broadcast_in_dim3A_6 = vector.broadcast %broadcast_in_dim3A : f32 to vector<1024x384xf32>
      %swap3A = arith.constant 0 : index
      %swap3A_7 = arith.constant 0 : index
      %swap3A_8 = vector.load %arg14[%swap3A, %swap3A_7] : memref<1024x384xf32, #tpu.memory_space<vmem>>, vector<1024x384xf32>
      tpu.vector_store %arg14[%swap3A, %swap3A_7], %broadcast_in_dim3A_6 {strides = array<i32>} : memref<1024x384xf32, #tpu.memory_space<vmem>>, vector<1024x384xf32>,
    } else {
    }
    return
  }
  func.func @transform_0(%arg0: i32) -> (i32, i32) {
    %min3A = arith.constant 7 : i32
    %min3A_0 = arith.minsi %arg0, %min3A : i32
    %c0_i32 = arith.constant 0 : i32
    %c0_i32_1 = arith.constant 0 : i32
    return %min3A_0, %c0_i32 : i32, i32
  }
  func.func @transform_1(%arg0: i32) -> (i32, i32) {
    %min3A = arith.constant 7 : i32
    %min3A_0 = arith.minsi %arg0, %min3A : i32
    %c0_i32 = arith.constant 0 : i32
    %c0_i32_1 = arith.constant 0 : i32
    return %min3A_0, %c0_i32 : i32, i32
  }
  func.func @transform_2(%arg0: i32) -> (i32, i32) {
    %min3A = arith.constant 7 : i32
    %min3A_0 = arith.minsi %arg0, %min3A : i32
    %c0_i32 = arith.constant 0 : i32
    %c0_i32_1 = arith.constant 0 : i32
    return %min3A_0, %c0_i32 : i32, i32
  }
  func.func @transform_3(%arg0: i32) -> (i32, i32) {
    %c0_i32 = arith.constant 0 : i32
    %c0_i32_0 = arith.constant 0 : i32
    %c0_i32_1 = arith.constant 0 : i32
    return %c0_i32, %c0_i32_0 : i32, i32
  }
  func.func @transform_4(%arg0: i32) -> (i32, i32) {
    %c0_i32 = arith.constant 0 : i32
    %c0_i32_0 = arith.constant 0 : i32
    %c0_i32_1 = arith.constant 0 : i32
    return %c0_i32, %c0_i32_0 : i32, i32
  }
  func.func @transform_5(%arg0: i32) -> (i32, i32) {
    %c0_i32 = arith.constant 0 : i32
    %c0_i32_0 = arith.constant 0 : i32
    %c0_i32_1 = arith.constant 0 : i32
    return %c0_i32, %c0_i32_0 : i32, i32
  }
  func.func @transform_6(%arg0: i32) -> (i32, i32) {
    %c0_i32 = arith.constant 0 : i32
    %c0_i32_0 = arith.constant 0 : i32
    %c0_i32_1 = arith.constant 0 : i32
    return %c0_i32, %c0_i32_0 : i32, i32
  }
  func.func @transform_7(%arg0: i32) -> (i32, i32) {
    %c0_i32 = arith.constant 0 : i32
    %c0_i32_0 = arith.constant 0 : i32
    %c0_i32_1 = arith.constant 0 : i32
    return %c0_i32, %c0_i32_0 : i32, i32
  }
  func.func @transform_8(%arg0: i32) -> (i32, i32) {
    %c0_i32 = arith.constant 0 : i32
    %c0_i32_0 = arith.constant 0 : i32
    %c0_i32_1 = arith.constant 0 : i32
    return %c0_i32, %c0_i32_0 : i32, i32
  }
  func.func @transform_9(%arg0: i32) -> (i32, i32) {
    %c0_i32 = arith.constant 0 : i32
    %c0_i32_0 = arith.constant 0 : i32
    %c0_i32_1 = arith.constant 0 : i32
    return %c0_i32, %c0_i32_0 : i32, i32
  }
  func.func @transform_10(%arg0: i32) -> (i32, i32) {
    %c0_i32 = arith.constant 0 : i32
    %c0_i32_0 = arith.constant 0 : i32
    %c0_i32_1 = arith.constant 0 : i32
    return %c0_i32, %c0_i32_0 : i32, i32
  }
  func.func @transform_11(%arg0: i32) -> (i32, i32) {
    %c0_i32 = arith.constant 0 : i32
    %c0_i32_0 = arith.constant 0 : i32
    %c0_i32_1 = arith.constant 0 : i32
    return %c0_i32, %c0_i32_0 : i32, i32
  }
  func.func @transform_12(%arg0: i32) -> (i32, i32) {
    %c0_i32 = arith.constant 0 : i32
    %c0_i32_0 = arith.constant 0 : i32
    %c0_i32_1 = arith.constant 0 : i32
    return %c0_i32, %c0_i32_0 : i32, i32
  }
  func.func @transform_13(%arg0: i32) -> (i32, i32) {
    %c0_i32 = arith.constant 0 : i32
    %c0_i32_0 = arith.constant 0 : i32
    return %arg0, %c0_i32 : i32, i32
  }
}

module attributes {stable_mosaic.version = 14 : i64} {
  func.func @_k3_body(%arg0: i32, %arg1: memref<1024x384xf32, #tpu.memory_space<vmem>>, %arg2: memref<1024x384xf32, #tpu.memory_space<vmem>>, %arg3: memref<384x384xf32, #tpu.memory_space<vmem>>, %arg4: memref<1x384xf32, #tpu.memory_space<vmem>>, %arg5: memref<384x384xf32, #tpu.memory_space<vmem>>, %arg6: memref<1x384xf32, #tpu.memory_space<vmem>>, %arg7: memref<384x384xf32, #tpu.memory_space<vmem>>, %arg8: memref<1x384xf32, #tpu.memory_space<vmem>>, %arg9: memref<384x384xf32, #tpu.memory_space<vmem>>, %arg10: memref<1x384xf32, #tpu.memory_space<vmem>>, %arg11: memref<1024x384xf32, #tpu.memory_space<vmem>>, %arg12: memref<1024x384xf32, #tpu.memory_space<vmem>>, %arg13: memref<1024x384xf32, #tpu.memory_space<vmem>>, %arg14: memref<1x384xf32, #tpu.memory_space<vmem>>, %arg15: memref<1x384xf32, #tpu.memory_space<vmem>>) attributes {dimension_semantics = [#tpu.dimension_semantics<arbitrary>], iteration_bounds = array<i64: 8>, scalar_prefetch = 0 : i64, scratch_operands = 1 : i64, tpu.core_type = #tpu.core_type<tc>, window_params = [{transform_indices = @transform_0, window_bounds = array<i64: 1024, 384>}, {transform_indices = @transform_1, window_bounds = array<i64: 1024, 384>}, {pipeline_mode = #tpu.pipeline_mode<synchronous>, transform_indices = @transform_2, window_bounds = array<i64: 384, 384>}, {pipeline_mode = #tpu.pipeline_mode<synchronous>, transform_indices = @transform_3, window_bounds = array<i64: 1, 384>}, {pipeline_mode = #tpu.pipeline_mode<synchronous>, transform_indices = @transform_4, window_bounds = array<i64: 384, 384>}, {pipeline_mode = #tpu.pipeline_mode<synchronous>, transform_indices = @transform_5, window_bounds = array<i64: 1, 384>}, {pipeline_mode = #tpu.pipeline_mode<synchronous>, transform_indices = @transform_6, window_bounds = array<i64: 384, 384>}, {pipeline_mode = #tpu.pipeline_mode<synchronous>, transform_indices = @transform_7, window_bounds = array<i64: 1, 384>}, {pipeline_mode = #tpu.pipeline_mode<synchronous>, transform_indices = @transform_8, window_bounds = array<i64: 384, 384>}, {pipeline_mode = #tpu.pipeline_mode<synchronous>, transform_indices = @transform_9, window_bounds = array<i64: 1, 384>}, {transform_indices = @transform_10, window_bounds = array<i64: 1024, 384>}, {transform_indices = @transform_11, window_bounds = array<i64: 1024, 384>}, {transform_indices = @transform_12, window_bounds = array<i64: 1024, 384>}, {pipeline_mode = #tpu.pipeline_mode<synchronous>, transform_indices = @transform_13, window_bounds = array<i64: 1, 384>}]} {
    %get3A = arith.constant 0 : index
    %get3A_0 = arith.constant 0 : index
    %get3A_1 = vector.load %arg2[%get3A, %get3A_0] : memref<1024x384xf32, #tpu.memory_space<vmem>>, vector<1024x384xf32>
    %get3A_2 = arith.constant 0 : index
    %get3A_3 = arith.constant 0 : index
    %get3A_4 = vector.load %arg3[%get3A_2, %get3A_3] : memref<384x384xf32, #tpu.memory_space<vmem>>, vector<384x384xf32>
    %dot_general3A = arith.constant dense<0.000000e+00> : vector<1024x384xf32>
    %dot_general3A_5 = tpu.matmul %get3A_1, %get3A_4, %dot_general3A {dimension_numbers = #tpu.dot_dimension_numbers<[1], [0], [0], [1], [0, 0, 1, 1], [], []>, transpose_lhs_hint = false} : vector<1024x384xf32>, vector<384x384xf32>, vector<1024x384xf32> -> vector<1024x384xf32>
    %get3A_6 = arith.constant 0 : index
    %get3A_7 = arith.constant 0 : index
    %get3A_8 = vector.load %arg4[%get3A_6, %get3A_7] : memref<1x384xf32, #tpu.memory_space<vmem>>, vector<1x384xf32>
    %add3A = vector.broadcast %get3A_8 : vector<1x384xf32> to vector<1024x384xf32>
    %add3A_9 = arith.addf %dot_general3A_5, %add3A : vector<1024x384xf32>
    %max3A = arith.constant 0.000000e+00 : f32
    %max3A_10 = vector.broadcast %max3A : f32 to vector<1024x384xf32>
    %max3A_11 = arith.maximumf %add3A_9, %max3A_10 : vector<1024x384xf32>
    %get3A_12 = arith.constant 0 : index
    %get3A_13 = arith.constant 0 : index
    %get3A_14 = vector.load %arg1[%get3A_12, %get3A_13] : memref<1024x384xf32, #tpu.memory_space<vmem>>, vector<1024x384xf32>
    %get3A_15 = arith.constant 0 : index
    %get3A_16 = arith.constant 0 : index
    %get3A_17 = vector.load %arg5[%get3A_15, %get3A_16] : memref<384x384xf32, #tpu.memory_space<vmem>>, vector<384x384xf32>
    %dot_general3A_18 = arith.constant dense<0.000000e+00> : vector<1024x384xf32>
    %dot_general3A_19 = tpu.matmul %max3A_11, %get3A_17, %dot_general3A_18 {dimension_numbers = #tpu.dot_dimension_numbers<[1], [0], [0], [1], [0, 0, 1, 1], [], []>, transpose_lhs_hint = false} : vector<1024x384xf32>, vector<384x384xf32>, vector<1024x384xf32> -> vector<1024x384xf32>
    %add3A_20 = arith.addf %get3A_14, %dot_general3A_19 : vector<1024x384xf32>
    %get3A_21 = arith.constant 0 : index
    %get3A_22 = arith.constant 0 : index
    %get3A_23 = vector.load %arg6[%get3A_21, %get3A_22] : memref<1x384xf32, #tpu.memory_space<vmem>>, vector<1x384xf32>
    %add3A_24 = vector.broadcast %get3A_23 : vector<1x384xf32> to vector<1024x384xf32>
    %add3A_25 = arith.addf %add3A_20, %add3A_24 : vector<1024x384xf32>
    %swap3A = arith.constant 0 : index
    %swap3A_26 = arith.constant 0 : index
    %swap3A_27 = vector.load %arg11[%swap3A, %swap3A_26] : memref<1024x384xf32, #tpu.memory_space<vmem>>, vector<1024x384xf32>
    tpu.vector_store %arg11[%swap3A, %swap3A_26], %add3A_25 {strides = array<i32>} : memref<1024x384xf32, #tpu.memory_space<vmem>>, vector<1024x384xf32>,
    %get3A_28 = arith.constant 0 : index
    %get3A_29 = arith.constant 0 : index
    %get3A_30 = vector.load %arg7[%get3A_28, %get3A_29] : memref<384x384xf32, #tpu.memory_space<vmem>>, vector<384x384xf32>
    %dot_general3A_31 = arith.constant dense<0.000000e+00> : vector<1024x384xf32>
    %dot_general3A_32 = tpu.matmul %add3A_25, %get3A_30, %dot_general3A_31 {dimension_numbers = #tpu.dot_dimension_numbers<[1], [0], [0], [1], [0, 0, 1, 1], [], []>, transpose_lhs_hint = false} : vector<1024x384xf32>, vector<384x384xf32>, vector<1024x384xf32> -> vector<1024x384xf32>
    %get3A_33 = arith.constant 0 : index
    %get3A_34 = arith.constant 0 : index
    %get3A_35 = vector.load %arg8[%get3A_33, %get3A_34] : memref<1x384xf32, #tpu.memory_space<vmem>>, vector<1x384xf32>
    %add3A_36 = vector.broadcast %get3A_35 : vector<1x384xf32> to vector<1024x384xf32>
    %add3A_37 = arith.addf %dot_general3A_32, %add3A_36 : vector<1024x384xf32>
    %get3A_38 = arith.constant 0 : index
    %get3A_39 = arith.constant 0 : index
    %get3A_40 = vector.load %arg9[%get3A_38, %get3A_39] : memref<384x384xf32, #tpu.memory_space<vmem>>, vector<384x384xf32>
    %dot_general3A_41 = arith.constant dense<0.000000e+00> : vector<1024x384xf32>
    %dot_general3A_42 = tpu.matmul %add3A_25, %get3A_40, %dot_general3A_41 {dimension_numbers = #tpu.dot_dimension_numbers<[1], [0], [0], [1], [0, 0, 1, 1], [], []>, transpose_lhs_hint = false} : vector<1024x384xf32>, vector<384x384xf32>, vector<1024x384xf32> -> vector<1024x384xf32>
    %get3A_43 = arith.constant 0 : index
    %get3A_44 = arith.constant 0 : index
    %get3A_45 = vector.load %arg10[%get3A_43, %get3A_44] : memref<1x384xf32, #tpu.memory_space<vmem>>, vector<1x384xf32>
    %add3A_46 = vector.broadcast %get3A_45 : vector<1x384xf32> to vector<1024x384xf32>
    %add3A_47 = arith.addf %dot_general3A_42, %add3A_46 : vector<1024x384xf32>
    %swap3A_48 = arith.constant 0 : index
    %swap3A_49 = arith.constant 0 : index
    %swap3A_50 = vector.load %arg12[%swap3A_48, %swap3A_49] : memref<1024x384xf32, #tpu.memory_space<vmem>>, vector<1024x384xf32>
    tpu.vector_store %arg12[%swap3A_48, %swap3A_49], %add3A_37 {strides = array<i32>} : memref<1024x384xf32, #tpu.memory_space<vmem>>, vector<1024x384xf32>,
    %swap3A_51 = arith.constant 0 : index
    %swap3A_52 = arith.constant 0 : index
    %swap3A_53 = vector.load %arg13[%swap3A_51, %swap3A_52] : memref<1024x384xf32, #tpu.memory_space<vmem>>, vector<1024x384xf32>
    tpu.vector_store %arg13[%swap3A_51, %swap3A_52], %add3A_47 {strides = array<i32>} : memref<1024x384xf32, #tpu.memory_space<vmem>>, vector<1024x384xf32>,
    %reduce_max3A = arith.constant dense<0xFF800000> : vector<384xf32>
    %reduce_max3A_54 = vector.multi_reduction <maximumf>, %add3A_47, %reduce_max3A [0] : vector<1024x384xf32> to vector<384xf32>
    %broadcast_in_dim3A = vector.shape_cast %reduce_max3A_54 : vector<384xf32> to vector<1x384xf32>
    %eq3A = arith.constant 0 : i32
    %eq3A_55 = arith.cmpi eq, %arg0, %eq3A : i32
    %convert_element_type3A = arith.extui %eq3A_55 : i1 to i32
    %cond3A = arith.constant 0 : i32
    %cond3A_56 = arith.cmpi ne, %convert_element_type3A, %cond3A : i32
    scf.if %cond3A_56 {
      %swap3A_66 = arith.constant 0 : index
      %swap3A_67 = arith.constant 0 : index
      %swap3A_68 = vector.load %arg15[%swap3A_66, %swap3A_67] : memref<1x384xf32, #tpu.memory_space<vmem>>, vector<1x384xf32>
      tpu.vector_store %arg15[%swap3A_66, %swap3A_67], %broadcast_in_dim3A {strides = array<i32>} : memref<1x384xf32, #tpu.memory_space<vmem>>, vector<1x384xf32>,
    } else {
    }
    %gt3A = arith.constant 0 : i32
    %gt3A_57 = arith.cmpi sgt, %arg0, %gt3A : i32
    %convert_element_type3A_58 = arith.extui %gt3A_57 : i1 to i32
    %cond3A_59 = arith.constant 0 : i32
    %cond3A_60 = arith.cmpi ne, %convert_element_type3A_58, %cond3A_59 : i32
    scf.if %cond3A_60 {
      %get3A_66 = arith.constant 0 : index
      %get3A_67 = arith.constant 0 : index
      %get3A_68 = vector.load %arg15[%get3A_66, %get3A_67] : memref<1x384xf32, #tpu.memory_space<vmem>>, vector<1x384xf32>
      %max3A_69 = arith.maximumf %get3A_68, %broadcast_in_dim3A : vector<1x384xf32>
      %swap3A_70 = arith.constant 0 : index
      %swap3A_71 = arith.constant 0 : index
      %swap3A_72 = vector.load %arg15[%swap3A_70, %swap3A_71] : memref<1x384xf32, #tpu.memory_space<vmem>>, vector<1x384xf32>
      tpu.vector_store %arg15[%swap3A_70, %swap3A_71], %max3A_69 {strides = array<i32>} : memref<1x384xf32, #tpu.memory_space<vmem>>, vector<1x384xf32>,
    } else {
    }
    %eq3A_61 = arith.constant 7 : i32
    %eq3A_62 = arith.cmpi eq, %arg0, %eq3A_61 : i32
    %convert_element_type3A_63 = arith.extui %eq3A_62 : i1 to i32
    %cond3A_64 = arith.constant 0 : i32
    %cond3A_65 = arith.cmpi ne, %convert_element_type3A_63, %cond3A_64 : i32
    scf.if %cond3A_65 {
      %get3A_66 = arith.constant 0 : index
      %get3A_67 = arith.constant 0 : index
      %get3A_68 = vector.load %arg15[%get3A_66, %get3A_67] : memref<1x384xf32, #tpu.memory_space<vmem>>, vector<1x384xf32>
      %swap3A_69 = arith.constant 0 : index
      %swap3A_70 = arith.constant 0 : index
      %swap3A_71 = vector.load %arg14[%swap3A_69, %swap3A_70] : memref<1x384xf32, #tpu.memory_space<vmem>>, vector<1x384xf32>
      tpu.vector_store %arg14[%swap3A_69, %swap3A_70], %get3A_68 {strides = array<i32>} : memref<1x384xf32, #tpu.memory_space<vmem>>, vector<1x384xf32>,
    } else {
    }
    return
  }
  func.func @transform_0(%arg0: i32) -> (i32, i32) {
    %min3A = arith.constant 7 : i32
    %min3A_0 = arith.minsi %arg0, %min3A : i32
    %c0_i32 = arith.constant 0 : i32
    %c0_i32_1 = arith.constant 0 : i32
    return %min3A_0, %c0_i32 : i32, i32
  }
  func.func @transform_1(%arg0: i32) -> (i32, i32) {
    %min3A = arith.constant 7 : i32
    %min3A_0 = arith.minsi %arg0, %min3A : i32
    %c0_i32 = arith.constant 0 : i32
    %c0_i32_1 = arith.constant 0 : i32
    return %min3A_0, %c0_i32 : i32, i32
  }
  func.func @transform_2(%arg0: i32) -> (i32, i32) {
    %c0_i32 = arith.constant 0 : i32
    %c0_i32_0 = arith.constant 0 : i32
    %c0_i32_1 = arith.constant 0 : i32
    return %c0_i32, %c0_i32_0 : i32, i32
  }
  func.func @transform_3(%arg0: i32) -> (i32, i32) {
    %c0_i32 = arith.constant 0 : i32
    %c0_i32_0 = arith.constant 0 : i32
    %c0_i32_1 = arith.constant 0 : i32
    return %c0_i32, %c0_i32_0 : i32, i32
  }
  func.func @transform_4(%arg0: i32) -> (i32, i32) {
    %c0_i32 = arith.constant 0 : i32
    %c0_i32_0 = arith.constant 0 : i32
    %c0_i32_1 = arith.constant 0 : i32
    return %c0_i32, %c0_i32_0 : i32, i32
  }
  func.func @transform_5(%arg0: i32) -> (i32, i32) {
    %c0_i32 = arith.constant 0 : i32
    %c0_i32_0 = arith.constant 0 : i32
    %c0_i32_1 = arith.constant 0 : i32
    return %c0_i32, %c0_i32_0 : i32, i32
  }
  func.func @transform_6(%arg0: i32) -> (i32, i32) {
    %c0_i32 = arith.constant 0 : i32
    %c0_i32_0 = arith.constant 0 : i32
    %c0_i32_1 = arith.constant 0 : i32
    return %c0_i32, %c0_i32_0 : i32, i32
  }
  func.func @transform_7(%arg0: i32) -> (i32, i32) {
    %c0_i32 = arith.constant 0 : i32
    %c0_i32_0 = arith.constant 0 : i32
    %c0_i32_1 = arith.constant 0 : i32
    return %c0_i32, %c0_i32_0 : i32, i32
  }
  func.func @transform_8(%arg0: i32) -> (i32, i32) {
    %c0_i32 = arith.constant 0 : i32
    %c0_i32_0 = arith.constant 0 : i32
    %c0_i32_1 = arith.constant 0 : i32
    return %c0_i32, %c0_i32_0 : i32, i32
  }
  func.func @transform_9(%arg0: i32) -> (i32, i32) {
    %c0_i32 = arith.constant 0 : i32
    %c0_i32_0 = arith.constant 0 : i32
    %c0_i32_1 = arith.constant 0 : i32
    return %c0_i32, %c0_i32_0 : i32, i32
  }
  func.func @transform_10(%arg0: i32) -> (i32, i32) {
    %c0_i32 = arith.constant 0 : i32
    %c0_i32_0 = arith.constant 0 : i32
    return %arg0, %c0_i32 : i32, i32
  }
  func.func @transform_11(%arg0: i32) -> (i32, i32) {
    %c0_i32 = arith.constant 0 : i32
    %c0_i32_0 = arith.constant 0 : i32
    return %arg0, %c0_i32 : i32, i32
  }
  func.func @transform_12(%arg0: i32) -> (i32, i32) {
    %c0_i32 = arith.constant 0 : i32
    %c0_i32_0 = arith.constant 0 : i32
    return %arg0, %c0_i32 : i32, i32
  }
  func.func @transform_13(%arg0: i32) -> (i32, i32) {
    %c0_i32 = arith.constant 0 : i32
    %c0_i32_0 = arith.constant 0 : i32
    %c0_i32_1 = arith.constant 0 : i32
    return %c0_i32, %c0_i32_0 : i32, i32
  }
}

module attributes {stable_mosaic.version = 14 : i64} {
  func.func @body(%arg0: i32, %arg1: memref<1024x384xf32, #tpu.memory_space<vmem>>, %arg2: memref<1024x384xf32, #tpu.memory_space<vmem>>, %arg3: memref<1x384xf32, #tpu.memory_space<vmem>>, %arg4: memref<1x1x1024xi32, #tpu.memory_space<vmem>>, %arg5: memref<384x384xf32, #tpu.memory_space<vmem>>, %arg6: memref<256x384xf32, #tpu.memory_space<vmem>>, %arg7: memref<256x384xf32, #tpu.memory_space<vmem>>, %arg8: memref<256x384xf32, #tpu.memory_space<vmem>>) attributes {dimension_semantics = [#tpu.dimension_semantics<arbitrary>], iteration_bounds = array<i64: 8>, scalar_prefetch = 0 : i64, scratch_operands = 2 : i64, tpu.core_type = #tpu.core_type<tc>, window_params = [{transform_indices = @transform_0, window_bounds = array<i64: 1024, 384>}, {transform_indices = @transform_1, window_bounds = array<i64: 1024, 384>}, {pipeline_mode = #tpu.pipeline_mode<synchronous>, transform_indices = @transform_2, window_bounds = array<i64: 1, 384>}, {transform_indices = @transform_3, window_bounds = array<i64: 1, 1, 1024>}, {pipeline_mode = #tpu.pipeline_mode<synchronous>, transform_indices = @transform_4, window_bounds = array<i64: 384, 384>}, {pipeline_mode = #tpu.pipeline_mode<synchronous>, transform_indices = @transform_5, window_bounds = array<i64: 256, 384>}]} {
    %get3A = arith.constant 0 : index
    %get3A_0 = arith.constant 0 : index
    %get3A_1 = vector.load %arg2[%get3A, %get3A_0] : memref<1024x384xf32, #tpu.memory_space<vmem>>, vector<1024x384xf32>
    %get3A_2 = arith.constant 0 : index
    %get3A_3 = arith.constant 0 : index
    %get3A_4 = vector.load %arg3[%get3A_2, %get3A_3] : memref<1x384xf32, #tpu.memory_space<vmem>>, vector<1x384xf32>
    %sub3A = vector.broadcast %get3A_4 : vector<1x384xf32> to vector<1024x384xf32>
    %sub3A_5 = arith.subf %get3A_1, %sub3A : vector<1024x384xf32>
    %exp3A = math.exp %sub3A_5 : vector<1024x384xf32>
    %iota3A = tpu.iota {dimensions = array<i32: 0>} : vector<256x1024xi32>
    %get3A_6 = arith.constant 0 : index
    %get3A_7 = arith.constant 0 : index
    %get3A_8 = arith.constant 0 : index
    %get3A_9 = vector.load %arg4[%get3A_6, %get3A_7, %get3A_8] : memref<1x1x1024xi32, #tpu.memory_space<vmem>>, vector<1x1x1024xi32>
    %get3A_10 = vector.shape_cast %get3A_9 : vector<1x1x1024xi32> to vector<1x1024xi32>
    %eq3A = vector.broadcast %get3A_10 : vector<1x1024xi32> to vector<256x1024xi32>
    %eq3A_11 = arith.cmpi eq, %iota3A, %eq3A : vector<256x1024xi32>
    %convert_element_type3A = arith.extui %eq3A_11 : vector<256x1024xi1> to vector<256x1024xi32>
    %convert_element_type3A_12 = arith.sitofp %convert_element_type3A : vector<256x1024xi32> to vector<256x1024xf32>
    %get3A_13 = arith.constant 0 : index
    %get3A_14 = arith.constant 0 : index
    %get3A_15 = vector.load %arg1[%get3A_13, %get3A_14] : memref<1024x384xf32, #tpu.memory_space<vmem>>, vector<1024x384xf32>
    %mul3A = arith.mulf %get3A_15, %exp3A : vector<1024x384xf32>
    %dot_general3A = arith.constant dense<0.000000e+00> : vector<256x384xf32>
    %dot_general3A_16 = tpu.matmul %convert_element_type3A_12, %mul3A, %dot_general3A {dimension_numbers = #tpu.dot_dimension_numbers<[1], [0], [0], [1], [0, 0, 1, 1], [], []>, transpose_lhs_hint = false} : vector<256x1024xf32>, vector<1024x384xf32>, vector<256x384xf32> -> vector<256x384xf32>
    %dot_general3A_17 = arith.constant dense<0.000000e+00> : vector<256x384xf32>
    %dot_general3A_18 = tpu.matmul %convert_element_type3A_12, %exp3A, %dot_general3A_17 {dimension_numbers = #tpu.dot_dimension_numbers<[1], [0], [0], [1], [0, 0, 1, 1], [], []>, transpose_lhs_hint = false} : vector<256x1024xf32>, vector<1024x384xf32>, vector<256x384xf32> -> vector<256x384xf32>
    %eq3A_19 = arith.constant 0 : i32
    %eq3A_20 = arith.cmpi eq, %arg0, %eq3A_19 : i32
    %convert_element_type3A_21 = arith.extui %eq3A_20 : i1 to i32
    %cond3A = arith.constant 0 : i32
    %cond3A_22 = arith.cmpi ne, %convert_element_type3A_21, %cond3A : i32
    scf.if %cond3A_22 {
      %swap3A = arith.constant 0 : index
      %swap3A_32 = arith.constant 0 : index
      %swap3A_33 = vector.load %arg7[%swap3A, %swap3A_32] : memref<256x384xf32, #tpu.memory_space<vmem>>, vector<256x384xf32>
      tpu.vector_store %arg7[%swap3A, %swap3A_32], %dot_general3A_16 {strides = array<i32>} : memref<256x384xf32, #tpu.memory_space<vmem>>, vector<256x384xf32>,
      %swap3A_34 = arith.constant 0 : index
      %swap3A_35 = arith.constant 0 : index
      %swap3A_36 = vector.load %arg8[%swap3A_34, %swap3A_35] : memref<256x384xf32, #tpu.memory_space<vmem>>, vector<256x384xf32>
      tpu.vector_store %arg8[%swap3A_34, %swap3A_35], %dot_general3A_18 {strides = array<i32>} : memref<256x384xf32, #tpu.memory_space<vmem>>, vector<256x384xf32>,
    } else {
    }
    %gt3A = arith.constant 0 : i32
    %gt3A_23 = arith.cmpi sgt, %arg0, %gt3A : i32
    %convert_element_type3A_24 = arith.extui %gt3A_23 : i1 to i32
    %cond3A_25 = arith.constant 0 : i32
    %cond3A_26 = arith.cmpi ne, %convert_element_type3A_24, %cond3A_25 : i32
    scf.if %cond3A_26 {
      %get3A_32 = arith.constant 0 : index
      %get3A_33 = arith.constant 0 : index
      %get3A_34 = vector.load %arg7[%get3A_32, %get3A_33] : memref<256x384xf32, #tpu.memory_space<vmem>>, vector<256x384xf32>
      %add3A = arith.addf %get3A_34, %dot_general3A_16 : vector<256x384xf32>
      %swap3A = arith.constant 0 : index
      %swap3A_35 = arith.constant 0 : index
      %swap3A_36 = vector.load %arg7[%swap3A, %swap3A_35] : memref<256x384xf32, #tpu.memory_space<vmem>>, vector<256x384xf32>
      tpu.vector_store %arg7[%swap3A, %swap3A_35], %add3A {strides = array<i32>} : memref<256x384xf32, #tpu.memory_space<vmem>>, vector<256x384xf32>,
      %get3A_37 = arith.constant 0 : index
      %get3A_38 = arith.constant 0 : index
      %get3A_39 = vector.load %arg8[%get3A_37, %get3A_38] : memref<256x384xf32, #tpu.memory_space<vmem>>, vector<256x384xf32>
      %add3A_40 = arith.addf %get3A_39, %dot_general3A_18 : vector<256x384xf32>
      %swap3A_41 = arith.constant 0 : index
      %swap3A_42 = arith.constant 0 : index
      %swap3A_43 = vector.load %arg8[%swap3A_41, %swap3A_42] : memref<256x384xf32, #tpu.memory_space<vmem>>, vector<256x384xf32>
      tpu.vector_store %arg8[%swap3A_41, %swap3A_42], %add3A_40 {strides = array<i32>} : memref<256x384xf32, #tpu.memory_space<vmem>>, vector<256x384xf32>,
    } else {
    }
    %eq3A_27 = arith.constant 7 : i32
    %eq3A_28 = arith.cmpi eq, %arg0, %eq3A_27 : i32
    %convert_element_type3A_29 = arith.extui %eq3A_28 : i1 to i32
    %cond3A_30 = arith.constant 0 : i32
    %cond3A_31 = arith.cmpi ne, %convert_element_type3A_29, %cond3A_30 : i32
    scf.if %cond3A_31 {
      %get3A_32 = arith.constant 0 : index
      %get3A_33 = arith.constant 0 : index
      %get3A_34 = vector.load %arg8[%get3A_32, %get3A_33] : memref<256x384xf32, #tpu.memory_space<vmem>>, vector<256x384xf32>
      %get3A_35 = arith.constant 0 : index
      %get3A_36 = arith.constant 0 : index
      %get3A_37 = vector.load %arg7[%get3A_35, %get3A_36] : memref<256x384xf32, #tpu.memory_space<vmem>>, vector<256x384xf32>
      %gt3A_38 = arith.constant 0.000000e+00 : f32
      %gt3A_39 = vector.broadcast %gt3A_38 : f32 to vector<256x384xf32>
      %gt3A_40 = arith.cmpf ogt, %get3A_34, %gt3A_39 : vector<256x384xf32>
      %jit3A = arith.constant 1.000000e+00 : f32
      %broadcast_in_dim3A = vector.broadcast %jit3A : f32 to vector<256x384xf32>
      %select_n3A = arith.select %gt3A_40, %get3A_34, %broadcast_in_dim3A : vector<256x384xi1>, vector<256x384xf32>
      %div3A = arith.divf %get3A_37, %select_n3A : vector<256x384xf32>
      %get3A_41 = arith.constant 0 : index
      %get3A_42 = arith.constant 0 : index
      %get3A_43 = vector.load %arg5[%get3A_41, %get3A_42] : memref<384x384xf32, #tpu.memory_space<vmem>>, vector<384x384xf32>
      %dot_general3A_44 = arith.constant dense<0.000000e+00> : vector<256x384xf32>
      %dot_general3A_45 = tpu.matmul %div3A, %get3A_43, %dot_general3A_44 {dimension_numbers = #tpu.dot_dimension_numbers<[1], [0], [0], [1], [0, 0, 1, 1], [], []>, transpose_lhs_hint = false} : vector<256x384xf32>, vector<384x384xf32>, vector<256x384xf32> -> vector<256x384xf32>
      %swap3A = arith.constant 0 : index
      %swap3A_46 = arith.constant 0 : index
      %swap3A_47 = vector.load %arg6[%swap3A, %swap3A_46] : memref<256x384xf32, #tpu.memory_space<vmem>>, vector<256x384xf32>
      tpu.vector_store %arg6[%swap3A, %swap3A_46], %dot_general3A_45 {strides = array<i32>} : memref<256x384xf32, #tpu.memory_space<vmem>>, vector<256x384xf32>,
    } else {
    }
    return
  }
  func.func @transform_0(%arg0: i32) -> (i32, i32) {
    %min3A = arith.constant 7 : i32
    %min3A_0 = arith.minsi %arg0, %min3A : i32
    %c0_i32 = arith.constant 0 : i32
    %c0_i32_1 = arith.constant 0 : i32
    return %min3A_0, %c0_i32 : i32, i32
  }
  func.func @transform_1(%arg0: i32) -> (i32, i32) {
    %min3A = arith.constant 7 : i32
    %min3A_0 = arith.minsi %arg0, %min3A : i32
    %c0_i32 = arith.constant 0 : i32
    %c0_i32_1 = arith.constant 0 : i32
    return %min3A_0, %c0_i32 : i32, i32
  }
  func.func @transform_2(%arg0: i32) -> (i32, i32) {
    %c0_i32 = arith.constant 0 : i32
    %c0_i32_0 = arith.constant 0 : i32
    %c0_i32_1 = arith.constant 0 : i32
    return %c0_i32, %c0_i32_0 : i32, i32
  }
  func.func @transform_3(%arg0: i32) -> (i32, i32, i32) {
    %c0_i32 = arith.constant 0 : i32
    %c0_i32_0 = arith.constant 0 : i32
    %c0_i32_1 = arith.constant 0 : i32
    return %arg0, %c0_i32, %c0_i32_0 : i32, i32, i32
  }
  func.func @transform_4(%arg0: i32) -> (i32, i32) {
    %c0_i32 = arith.constant 0 : i32
    %c0_i32_0 = arith.constant 0 : i32
    %c0_i32_1 = arith.constant 0 : i32
    return %c0_i32, %c0_i32_0 : i32, i32
  }
  func.func @transform_5(%arg0: i32) -> (i32, i32) {
    %c0_i32 = arith.constant 0 : i32
    %c0_i32_0 = arith.constant 0 : i32
    %c0_i32_1 = arith.constant 0 : i32
    return %c0_i32, %c0_i32_0 : i32, i32
  }
}

module attributes {stable_mosaic.version = 14 : i64} {
  func.func @_k5a_body(%arg0: i32, %arg1: memref<1024x384xf32, #tpu.memory_space<vmem>>, %arg2: memref<256x384xf32, #tpu.memory_space<vmem>>, %arg3: memref<1x1x1024xi32, #tpu.memory_space<vmem>>, %arg4: memref<1x384xf32, #tpu.memory_space<vmem>>, %arg5: memref<384x384xf32, #tpu.memory_space<vmem>>, %arg6: memref<1x384xf32, #tpu.memory_space<vmem>>, %arg7: memref<384x384xf32, #tpu.memory_space<vmem>>, %arg8: memref<1x384xf32, #tpu.memory_space<vmem>>, %arg9: memref<1024x384xf32, #tpu.memory_space<vmem>>, %arg10: memref<1024x384xf32, #tpu.memory_space<vmem>>, %arg11: memref<1024x384xf32, #tpu.memory_space<vmem>>, %arg12: memref<1x384xf32, #tpu.memory_space<vmem>>, %arg13: memref<1x384xf32, #tpu.memory_space<vmem>>) attributes {dimension_semantics = [#tpu.dimension_semantics<arbitrary>], iteration_bounds = array<i64: 8>, scalar_prefetch = 0 : i64, scratch_operands = 1 : i64, tpu.core_type = #tpu.core_type<tc>, window_params = [{transform_indices = @transform_0, window_bounds = array<i64: 1024, 384>}, {pipeline_mode = #tpu.pipeline_mode<synchronous>, transform_indices = @transform_1, window_bounds = array<i64: 256, 384>}, {transform_indices = @transform_2, window_bounds = array<i64: 1, 1, 1024>}, {pipeline_mode = #tpu.pipeline_mode<synchronous>, transform_indices = @transform_3, window_bounds = array<i64: 1, 384>}, {pipeline_mode = #tpu.pipeline_mode<synchronous>, transform_indices = @transform_4, window_bounds = array<i64: 384, 384>}, {pipeline_mode = #tpu.pipeline_mode<synchronous>, transform_indices = @transform_5, window_bounds = array<i64: 1, 384>}, {pipeline_mode = #tpu.pipeline_mode<synchronous>, transform_indices = @transform_6, window_bounds = array<i64: 384, 384>}, {pipeline_mode = #tpu.pipeline_mode<synchronous>, transform_indices = @transform_7, window_bounds = array<i64: 1, 384>}, {transform_indices = @transform_8, window_bounds = array<i64: 1024, 384>}, {transform_indices = @transform_9, window_bounds = array<i64: 1024, 384>}, {transform_indices = @transform_10, window_bounds = array<i64: 1024, 384>}, {pipeline_mode = #tpu.pipeline_mode<synchronous>, transform_indices = @transform_11, window_bounds = array<i64: 1, 384>}]} {
    %iota3A = tpu.iota {dimensions = array<i32: 0>} : vector<256x1024xi32>
    %get3A = arith.constant 0 : index
    %get3A_0 = arith.constant 0 : index
    %get3A_1 = arith.constant 0 : index
    %get3A_2 = vector.load %arg3[%get3A, %get3A_0, %get3A_1] : memref<1x1x1024xi32, #tpu.memory_space<vmem>>, vector<1x1x1024xi32>
    %get3A_3 = vector.shape_cast %get3A_2 : vector<1x1x1024xi32> to vector<1x1024xi32>
    %eq3A = vector.broadcast %get3A_3 : vector<1x1024xi32> to vector<256x1024xi32>
    %eq3A_4 = arith.cmpi eq, %iota3A, %eq3A : vector<256x1024xi32>
    %convert_element_type3A = arith.extui %eq3A_4 : vector<256x1024xi1> to vector<256x1024xi32>
    %convert_element_type3A_5 = arith.sitofp %convert_element_type3A : vector<256x1024xi32> to vector<256x1024xf32>
    %get3A_6 = arith.constant 0 : index
    %get3A_7 = arith.constant 0 : index
    %get3A_8 = vector.load %arg1[%get3A_6, %get3A_7] : memref<1024x384xf32, #tpu.memory_space<vmem>>, vector<1024x384xf32>
    %get3A_9 = arith.constant 0 : index
    %get3A_10 = arith.constant 0 : index
    %get3A_11 = vector.load %arg2[%get3A_9, %get3A_10] : memref<256x384xf32, #tpu.memory_space<vmem>>, vector<256x384xf32>
    %dot_general3A = arith.constant dense<0.000000e+00> : vector<1024x384xf32>
    %dot_general3A_12 = tpu.matmul %convert_element_type3A_5, %get3A_11, %dot_general3A {dimension_numbers = #tpu.dot_dimension_numbers<[0], [0], [1], [1], [0, 1, 1, 1], [], []>, transpose_lhs_hint = false} : vector<256x1024xf32>, vector<256x384xf32>, vector<1024x384xf32> -> vector<1024x384xf32>
    %add3A = arith.addf %get3A_8, %dot_general3A_12 : vector<1024x384xf32>
    %get3A_13 = arith.constant 0 : index
    %get3A_14 = arith.constant 0 : index
    %get3A_15 = vector.load %arg4[%get3A_13, %get3A_14] : memref<1x384xf32, #tpu.memory_space<vmem>>, vector<1x384xf32>
    %add3A_16 = vector.broadcast %get3A_15 : vector<1x384xf32> to vector<1024x384xf32>
    %add3A_17 = arith.addf %add3A, %add3A_16 : vector<1024x384xf32>
    %swap3A = arith.constant 0 : index
    %swap3A_18 = arith.constant 0 : index
    %swap3A_19 = vector.load %arg9[%swap3A, %swap3A_18] : memref<1024x384xf32, #tpu.memory_space<vmem>>, vector<1024x384xf32>
    tpu.vector_store %arg9[%swap3A, %swap3A_18], %add3A_17 {strides = array<i32>} : memref<1024x384xf32, #tpu.memory_space<vmem>>, vector<1024x384xf32>,
    %get3A_20 = arith.constant 0 : index
    %get3A_21 = arith.constant 0 : index
    %get3A_22 = vector.load %arg5[%get3A_20, %get3A_21] : memref<384x384xf32, #tpu.memory_space<vmem>>, vector<384x384xf32>
    %dot_general3A_23 = arith.constant dense<0.000000e+00> : vector<1024x384xf32>
    %dot_general3A_24 = tpu.matmul %add3A_17, %get3A_22, %dot_general3A_23 {dimension_numbers = #tpu.dot_dimension_numbers<[1], [0], [0], [1], [0, 0, 1, 1], [], []>, transpose_lhs_hint = false} : vector<1024x384xf32>, vector<384x384xf32>, vector<1024x384xf32> -> vector<1024x384xf32>
    %get3A_25 = arith.constant 0 : index
    %get3A_26 = arith.constant 0 : index
    %get3A_27 = vector.load %arg6[%get3A_25, %get3A_26] : memref<1x384xf32, #tpu.memory_space<vmem>>, vector<1x384xf32>
    %add3A_28 = vector.broadcast %get3A_27 : vector<1x384xf32> to vector<1024x384xf32>
    %add3A_29 = arith.addf %dot_general3A_24, %add3A_28 : vector<1024x384xf32>
    %get3A_30 = arith.constant 0 : index
    %get3A_31 = arith.constant 0 : index
    %get3A_32 = vector.load %arg7[%get3A_30, %get3A_31] : memref<384x384xf32, #tpu.memory_space<vmem>>, vector<384x384xf32>
    %dot_general3A_33 = arith.constant dense<0.000000e+00> : vector<1024x384xf32>
    %dot_general3A_34 = tpu.matmul %add3A_17, %get3A_32, %dot_general3A_33 {dimension_numbers = #tpu.dot_dimension_numbers<[1], [0], [0], [1], [0, 0, 1, 1], [], []>, transpose_lhs_hint = false} : vector<1024x384xf32>, vector<384x384xf32>, vector<1024x384xf32> -> vector<1024x384xf32>
    %get3A_35 = arith.constant 0 : index
    %get3A_36 = arith.constant 0 : index
    %get3A_37 = vector.load %arg8[%get3A_35, %get3A_36] : memref<1x384xf32, #tpu.memory_space<vmem>>, vector<1x384xf32>
    %add3A_38 = vector.broadcast %get3A_37 : vector<1x384xf32> to vector<1024x384xf32>
    %add3A_39 = arith.addf %dot_general3A_34, %add3A_38 : vector<1024x384xf32>
    %swap3A_40 = arith.constant 0 : index
    %swap3A_41 = arith.constant 0 : index
    %swap3A_42 = vector.load %arg10[%swap3A_40, %swap3A_41] : memref<1024x384xf32, #tpu.memory_space<vmem>>, vector<1024x384xf32>
    tpu.vector_store %arg10[%swap3A_40, %swap3A_41], %add3A_29 {strides = array<i32>} : memref<1024x384xf32, #tpu.memory_space<vmem>>, vector<1024x384xf32>,
    %swap3A_43 = arith.constant 0 : index
    %swap3A_44 = arith.constant 0 : index
    %swap3A_45 = vector.load %arg11[%swap3A_43, %swap3A_44] : memref<1024x384xf32, #tpu.memory_space<vmem>>, vector<1024x384xf32>
    tpu.vector_store %arg11[%swap3A_43, %swap3A_44], %add3A_39 {strides = array<i32>} : memref<1024x384xf32, #tpu.memory_space<vmem>>, vector<1024x384xf32>,
    %reduce_max3A = arith.constant dense<0xFF800000> : vector<384xf32>
    %reduce_max3A_46 = vector.multi_reduction <maximumf>, %add3A_39, %reduce_max3A [0] : vector<1024x384xf32> to vector<384xf32>
    %broadcast_in_dim3A = vector.shape_cast %reduce_max3A_46 : vector<384xf32> to vector<1x384xf32>
    %eq3A_47 = arith.constant 0 : i32
    %eq3A_48 = arith.cmpi eq, %arg0, %eq3A_47 : i32
    %convert_element_type3A_49 = arith.extui %eq3A_48 : i1 to i32
    %cond3A = arith.constant 0 : i32
    %cond3A_50 = arith.cmpi ne, %convert_element_type3A_49, %cond3A : i32
    scf.if %cond3A_50 {
      %swap3A_60 = arith.constant 0 : index
      %swap3A_61 = arith.constant 0 : index
      %swap3A_62 = vector.load %arg13[%swap3A_60, %swap3A_61] : memref<1x384xf32, #tpu.memory_space<vmem>>, vector<1x384xf32>
      tpu.vector_store %arg13[%swap3A_60, %swap3A_61], %broadcast_in_dim3A {strides = array<i32>} : memref<1x384xf32, #tpu.memory_space<vmem>>, vector<1x384xf32>,
    } else {
    }
    %gt3A = arith.constant 0 : i32
    %gt3A_51 = arith.cmpi sgt, %arg0, %gt3A : i32
    %convert_element_type3A_52 = arith.extui %gt3A_51 : i1 to i32
    %cond3A_53 = arith.constant 0 : i32
    %cond3A_54 = arith.cmpi ne, %convert_element_type3A_52, %cond3A_53 : i32
    scf.if %cond3A_54 {
      %get3A_60 = arith.constant 0 : index
      %get3A_61 = arith.constant 0 : index
      %get3A_62 = vector.load %arg13[%get3A_60, %get3A_61] : memref<1x384xf32, #tpu.memory_space<vmem>>, vector<1x384xf32>
      %max3A = arith.maximumf %get3A_62, %broadcast_in_dim3A : vector<1x384xf32>
      %swap3A_63 = arith.constant 0 : index
      %swap3A_64 = arith.constant 0 : index
      %swap3A_65 = vector.load %arg13[%swap3A_63, %swap3A_64] : memref<1x384xf32, #tpu.memory_space<vmem>>, vector<1x384xf32>
      tpu.vector_store %arg13[%swap3A_63, %swap3A_64], %max3A {strides = array<i32>} : memref<1x384xf32, #tpu.memory_space<vmem>>, vector<1x384xf32>,
    } else {
    }
    %eq3A_55 = arith.constant 7 : i32
    %eq3A_56 = arith.cmpi eq, %arg0, %eq3A_55 : i32
    %convert_element_type3A_57 = arith.extui %eq3A_56 : i1 to i32
    %cond3A_58 = arith.constant 0 : i32
    %cond3A_59 = arith.cmpi ne, %convert_element_type3A_57, %cond3A_58 : i32
    scf.if %cond3A_59 {
      %get3A_60 = arith.constant 0 : index
      %get3A_61 = arith.constant 0 : index
      %get3A_62 = vector.load %arg13[%get3A_60, %get3A_61] : memref<1x384xf32, #tpu.memory_space<vmem>>, vector<1x384xf32>
      %swap3A_63 = arith.constant 0 : index
      %swap3A_64 = arith.constant 0 : index
      %swap3A_65 = vector.load %arg12[%swap3A_63, %swap3A_64] : memref<1x384xf32, #tpu.memory_space<vmem>>, vector<1x384xf32>
      tpu.vector_store %arg12[%swap3A_63, %swap3A_64], %get3A_62 {strides = array<i32>} : memref<1x384xf32, #tpu.memory_space<vmem>>, vector<1x384xf32>,
    } else {
    }
    return
  }
  func.func @transform_0(%arg0: i32) -> (i32, i32) {
    %min3A = arith.constant 7 : i32
    %min3A_0 = arith.minsi %arg0, %min3A : i32
    %c0_i32 = arith.constant 0 : i32
    %c0_i32_1 = arith.constant 0 : i32
    return %min3A_0, %c0_i32 : i32, i32
  }
  func.func @transform_1(%arg0: i32) -> (i32, i32) {
    %c0_i32 = arith.constant 0 : i32
    %c0_i32_0 = arith.constant 0 : i32
    %c0_i32_1 = arith.constant 0 : i32
    return %c0_i32, %c0_i32_0 : i32, i32
  }
  func.func @transform_2(%arg0: i32) -> (i32, i32, i32) {
    %c0_i32 = arith.constant 0 : i32
    %c0_i32_0 = arith.constant 0 : i32
    %c0_i32_1 = arith.constant 0 : i32
    return %arg0, %c0_i32, %c0_i32_0 : i32, i32, i32
  }
  func.func @transform_3(%arg0: i32) -> (i32, i32) {
    %c0_i32 = arith.constant 0 : i32
    %c0_i32_0 = arith.constant 0 : i32
    %c0_i32_1 = arith.constant 0 : i32
    return %c0_i32, %c0_i32_0 : i32, i32
  }
  func.func @transform_4(%arg0: i32) -> (i32, i32) {
    %c0_i32 = arith.constant 0 : i32
    %c0_i32_0 = arith.constant 0 : i32
    %c0_i32_1 = arith.constant 0 : i32
    return %c0_i32, %c0_i32_0 : i32, i32
  }
  func.func @transform_5(%arg0: i32) -> (i32, i32) {
    %c0_i32 = arith.constant 0 : i32
    %c0_i32_0 = arith.constant 0 : i32
    %c0_i32_1 = arith.constant 0 : i32
    return %c0_i32, %c0_i32_0 : i32, i32
  }
  func.func @transform_6(%arg0: i32) -> (i32, i32) {
    %c0_i32 = arith.constant 0 : i32
    %c0_i32_0 = arith.constant 0 : i32
    %c0_i32_1 = arith.constant 0 : i32
    return %c0_i32, %c0_i32_0 : i32, i32
  }
  func.func @transform_7(%arg0: i32) -> (i32, i32) {
    %c0_i32 = arith.constant 0 : i32
    %c0_i32_0 = arith.constant 0 : i32
    %c0_i32_1 = arith.constant 0 : i32
    return %c0_i32, %c0_i32_0 : i32, i32
  }
  func.func @transform_8(%arg0: i32) -> (i32, i32) {
    %c0_i32 = arith.constant 0 : i32
    %c0_i32_0 = arith.constant 0 : i32
    return %arg0, %c0_i32 : i32, i32
  }
  func.func @transform_9(%arg0: i32) -> (i32, i32) {
    %c0_i32 = arith.constant 0 : i32
    %c0_i32_0 = arith.constant 0 : i32
    return %arg0, %c0_i32 : i32, i32
  }
  func.func @transform_10(%arg0: i32) -> (i32, i32) {
    %c0_i32 = arith.constant 0 : i32
    %c0_i32_0 = arith.constant 0 : i32
    return %arg0, %c0_i32 : i32, i32
  }
  func.func @transform_11(%arg0: i32) -> (i32, i32) {
    %c0_i32 = arith.constant 0 : i32
    %c0_i32_0 = arith.constant 0 : i32
    %c0_i32_1 = arith.constant 0 : i32
    return %c0_i32, %c0_i32_0 : i32, i32
  }
}

module attributes {stable_mosaic.version = 14 : i64} {
  func.func @body(%arg0: i32, %arg1: memref<1024x384xf32, #tpu.memory_space<vmem>>, %arg2: memref<1024x384xf32, #tpu.memory_space<vmem>>, %arg3: memref<1x384xf32, #tpu.memory_space<vmem>>, %arg4: memref<1x1x1024xi32, #tpu.memory_space<vmem>>, %arg5: memref<384x384xf32, #tpu.memory_space<vmem>>, %arg6: memref<1024x384xf32, #tpu.memory_space<vmem>>, %arg7: memref<1024x384xf32, #tpu.memory_space<vmem>>, %arg8: memref<1024x384xf32, #tpu.memory_space<vmem>>) attributes {dimension_semantics = [#tpu.dimension_semantics<arbitrary>], iteration_bounds = array<i64: 8>, scalar_prefetch = 0 : i64, scratch_operands = 2 : i64, tpu.core_type = #tpu.core_type<tc>, window_params = [{transform_indices = @transform_0, window_bounds = array<i64: 1024, 384>}, {transform_indices = @transform_1, window_bounds = array<i64: 1024, 384>}, {pipeline_mode = #tpu.pipeline_mode<synchronous>, transform_indices = @transform_2, window_bounds = array<i64: 1, 384>}, {transform_indices = @transform_3, window_bounds = array<i64: 1, 1, 1024>}, {pipeline_mode = #tpu.pipeline_mode<synchronous>, transform_indices = @transform_4, window_bounds = array<i64: 384, 384>}, {pipeline_mode = #tpu.pipeline_mode<synchronous>, transform_indices = @transform_5, window_bounds = array<i64: 1024, 384>}]} {
    %get3A = arith.constant 0 : index
    %get3A_0 = arith.constant 0 : index
    %get3A_1 = vector.load %arg2[%get3A, %get3A_0] : memref<1024x384xf32, #tpu.memory_space<vmem>>, vector<1024x384xf32>
    %get3A_2 = arith.constant 0 : index
    %get3A_3 = arith.constant 0 : index
    %get3A_4 = vector.load %arg3[%get3A_2, %get3A_3] : memref<1x384xf32, #tpu.memory_space<vmem>>, vector<1x384xf32>
    %sub3A = vector.broadcast %get3A_4 : vector<1x384xf32> to vector<1024x384xf32>
    %sub3A_5 = arith.subf %get3A_1, %sub3A : vector<1024x384xf32>
    %exp3A = math.exp %sub3A_5 : vector<1024x384xf32>
    %iota3A = tpu.iota {dimensions = array<i32: 0>} : vector<1024x1024xi32>
    %get3A_6 = arith.constant 0 : index
    %get3A_7 = arith.constant 0 : index
    %get3A_8 = arith.constant 0 : index
    %get3A_9 = vector.load %arg4[%get3A_6, %get3A_7, %get3A_8] : memref<1x1x1024xi32, #tpu.memory_space<vmem>>, vector<1x1x1024xi32>
    %get3A_10 = vector.shape_cast %get3A_9 : vector<1x1x1024xi32> to vector<1x1024xi32>
    %eq3A = vector.broadcast %get3A_10 : vector<1x1024xi32> to vector<1024x1024xi32>
    %eq3A_11 = arith.cmpi eq, %iota3A, %eq3A : vector<1024x1024xi32>
    %convert_element_type3A = arith.extui %eq3A_11 : vector<1024x1024xi1> to vector<1024x1024xi32>
    %convert_element_type3A_12 = arith.sitofp %convert_element_type3A : vector<1024x1024xi32> to vector<1024x1024xf32>
    %get3A_13 = arith.constant 0 : index
    %get3A_14 = arith.constant 0 : index
    %get3A_15 = vector.load %arg1[%get3A_13, %get3A_14] : memref<1024x384xf32, #tpu.memory_space<vmem>>, vector<1024x384xf32>
    %mul3A = arith.mulf %get3A_15, %exp3A : vector<1024x384xf32>
    %dot_general3A = arith.constant dense<0.000000e+00> : vector<1024x384xf32>
    %dot_general3A_16 = tpu.matmul %convert_element_type3A_12, %mul3A, %dot_general3A {dimension_numbers = #tpu.dot_dimension_numbers<[1], [0], [0], [1], [0, 0, 1, 1], [], []>, transpose_lhs_hint = false} : vector<1024x1024xf32>, vector<1024x384xf32>, vector<1024x384xf32> -> vector<1024x384xf32>
    %dot_general3A_17 = arith.constant dense<0.000000e+00> : vector<1024x384xf32>
    %dot_general3A_18 = tpu.matmul %convert_element_type3A_12, %exp3A, %dot_general3A_17 {dimension_numbers = #tpu.dot_dimension_numbers<[1], [0], [0], [1], [0, 0, 1, 1], [], []>, transpose_lhs_hint = false} : vector<1024x1024xf32>, vector<1024x384xf32>, vector<1024x384xf32> -> vector<1024x384xf32>
    %eq3A_19 = arith.constant 0 : i32
    %eq3A_20 = arith.cmpi eq, %arg0, %eq3A_19 : i32
    %convert_element_type3A_21 = arith.extui %eq3A_20 : i1 to i32
    %cond3A = arith.constant 0 : i32
    %cond3A_22 = arith.cmpi ne, %convert_element_type3A_21, %cond3A : i32
    scf.if %cond3A_22 {
      %swap3A = arith.constant 0 : index
      %swap3A_32 = arith.constant 0 : index
      %swap3A_33 = vector.load %arg7[%swap3A, %swap3A_32] : memref<1024x384xf32, #tpu.memory_space<vmem>>, vector<1024x384xf32>
      tpu.vector_store %arg7[%swap3A, %swap3A_32], %dot_general3A_16 {strides = array<i32>} : memref<1024x384xf32, #tpu.memory_space<vmem>>, vector<1024x384xf32>,
      %swap3A_34 = arith.constant 0 : index
      %swap3A_35 = arith.constant 0 : index
      %swap3A_36 = vector.load %arg8[%swap3A_34, %swap3A_35] : memref<1024x384xf32, #tpu.memory_space<vmem>>, vector<1024x384xf32>
      tpu.vector_store %arg8[%swap3A_34, %swap3A_35], %dot_general3A_18 {strides = array<i32>} : memref<1024x384xf32, #tpu.memory_space<vmem>>, vector<1024x384xf32>,
    } else {
    }
    %gt3A = arith.constant 0 : i32
    %gt3A_23 = arith.cmpi sgt, %arg0, %gt3A : i32
    %convert_element_type3A_24 = arith.extui %gt3A_23 : i1 to i32
    %cond3A_25 = arith.constant 0 : i32
    %cond3A_26 = arith.cmpi ne, %convert_element_type3A_24, %cond3A_25 : i32
    scf.if %cond3A_26 {
      %get3A_32 = arith.constant 0 : index
      %get3A_33 = arith.constant 0 : index
      %get3A_34 = vector.load %arg7[%get3A_32, %get3A_33] : memref<1024x384xf32, #tpu.memory_space<vmem>>, vector<1024x384xf32>
      %add3A = arith.addf %get3A_34, %dot_general3A_16 : vector<1024x384xf32>
      %swap3A = arith.constant 0 : index
      %swap3A_35 = arith.constant 0 : index
      %swap3A_36 = vector.load %arg7[%swap3A, %swap3A_35] : memref<1024x384xf32, #tpu.memory_space<vmem>>, vector<1024x384xf32>
      tpu.vector_store %arg7[%swap3A, %swap3A_35], %add3A {strides = array<i32>} : memref<1024x384xf32, #tpu.memory_space<vmem>>, vector<1024x384xf32>,
      %get3A_37 = arith.constant 0 : index
      %get3A_38 = arith.constant 0 : index
      %get3A_39 = vector.load %arg8[%get3A_37, %get3A_38] : memref<1024x384xf32, #tpu.memory_space<vmem>>, vector<1024x384xf32>
      %add3A_40 = arith.addf %get3A_39, %dot_general3A_18 : vector<1024x384xf32>
      %swap3A_41 = arith.constant 0 : index
      %swap3A_42 = arith.constant 0 : index
      %swap3A_43 = vector.load %arg8[%swap3A_41, %swap3A_42] : memref<1024x384xf32, #tpu.memory_space<vmem>>, vector<1024x384xf32>
      tpu.vector_store %arg8[%swap3A_41, %swap3A_42], %add3A_40 {strides = array<i32>} : memref<1024x384xf32, #tpu.memory_space<vmem>>, vector<1024x384xf32>,
    } else {
    }
    %eq3A_27 = arith.constant 7 : i32
    %eq3A_28 = arith.cmpi eq, %arg0, %eq3A_27 : i32
    %convert_element_type3A_29 = arith.extui %eq3A_28 : i1 to i32
    %cond3A_30 = arith.constant 0 : i32
    %cond3A_31 = arith.cmpi ne, %convert_element_type3A_29, %cond3A_30 : i32
    scf.if %cond3A_31 {
      %get3A_32 = arith.constant 0 : index
      %get3A_33 = arith.constant 0 : index
      %get3A_34 = vector.load %arg8[%get3A_32, %get3A_33] : memref<1024x384xf32, #tpu.memory_space<vmem>>, vector<1024x384xf32>
      %get3A_35 = arith.constant 0 : index
      %get3A_36 = arith.constant 0 : index
      %get3A_37 = vector.load %arg7[%get3A_35, %get3A_36] : memref<1024x384xf32, #tpu.memory_space<vmem>>, vector<1024x384xf32>
      %gt3A_38 = arith.constant 0.000000e+00 : f32
      %gt3A_39 = vector.broadcast %gt3A_38 : f32 to vector<1024x384xf32>
      %gt3A_40 = arith.cmpf ogt, %get3A_34, %gt3A_39 : vector<1024x384xf32>
      %jit3A = arith.constant 1.000000e+00 : f32
      %broadcast_in_dim3A = vector.broadcast %jit3A : f32 to vector<1024x384xf32>
      %select_n3A = arith.select %gt3A_40, %get3A_34, %broadcast_in_dim3A : vector<1024x384xi1>, vector<1024x384xf32>
      %div3A = arith.divf %get3A_37, %select_n3A : vector<1024x384xf32>
      %get3A_41 = arith.constant 0 : index
      %get3A_42 = arith.constant 0 : index
      %get3A_43 = vector.load %arg5[%get3A_41, %get3A_42] : memref<384x384xf32, #tpu.memory_space<vmem>>, vector<384x384xf32>
      %dot_general3A_44 = arith.constant dense<0.000000e+00> : vector<1024x384xf32>
      %dot_general3A_45 = tpu.matmul %div3A, %get3A_43, %dot_general3A_44 {dimension_numbers = #tpu.dot_dimension_numbers<[1], [0], [0], [1], [0, 0, 1, 1], [], []>, transpose_lhs_hint = false} : vector<1024x384xf32>, vector<384x384xf32>, vector<1024x384xf32> -> vector<1024x384xf32>
      %swap3A = arith.constant 0 : index
      %swap3A_46 = arith.constant 0 : index
      %swap3A_47 = vector.load %arg6[%swap3A, %swap3A_46] : memref<1024x384xf32, #tpu.memory_space<vmem>>, vector<1024x384xf32>
      tpu.vector_store %arg6[%swap3A, %swap3A_46], %dot_general3A_45 {strides = array<i32>} : memref<1024x384xf32, #tpu.memory_space<vmem>>, vector<1024x384xf32>,
    } else {
    }
    return
  }
  func.func @transform_0(%arg0: i32) -> (i32, i32) {
    %min3A = arith.constant 7 : i32
    %min3A_0 = arith.minsi %arg0, %min3A : i32
    %c0_i32 = arith.constant 0 : i32
    %c0_i32_1 = arith.constant 0 : i32
    return %min3A_0, %c0_i32 : i32, i32
  }
  func.func @transform_1(%arg0: i32) -> (i32, i32) {
    %min3A = arith.constant 7 : i32
    %min3A_0 = arith.minsi %arg0, %min3A : i32
    %c0_i32 = arith.constant 0 : i32
    %c0_i32_1 = arith.constant 0 : i32
    return %min3A_0, %c0_i32 : i32, i32
  }
  func.func @transform_2(%arg0: i32) -> (i32, i32) {
    %c0_i32 = arith.constant 0 : i32
    %c0_i32_0 = arith.constant 0 : i32
    %c0_i32_1 = arith.constant 0 : i32
    return %c0_i32, %c0_i32_0 : i32, i32
  }
  func.func @transform_3(%arg0: i32) -> (i32, i32, i32) {
    %c0_i32 = arith.constant 0 : i32
    %c0_i32_0 = arith.constant 0 : i32
    %c0_i32_1 = arith.constant 0 : i32
    return %arg0, %c0_i32, %c0_i32_0 : i32, i32, i32
  }
  func.func @transform_4(%arg0: i32) -> (i32, i32) {
    %c0_i32 = arith.constant 0 : i32
    %c0_i32_0 = arith.constant 0 : i32
    %c0_i32_1 = arith.constant 0 : i32
    return %c0_i32, %c0_i32_0 : i32, i32
  }
  func.func @transform_5(%arg0: i32) -> (i32, i32) {
    %c0_i32 = arith.constant 0 : i32
    %c0_i32_0 = arith.constant 0 : i32
    %c0_i32_1 = arith.constant 0 : i32
    return %c0_i32, %c0_i32_0 : i32, i32
  }
}

module attributes {stable_mosaic.version = 14 : i64} {
  func.func @_k6_body(%arg0: i32, %arg1: memref<1024x384xf32, #tpu.memory_space<vmem>>, %arg2: memref<1024x384xf32, #tpu.memory_space<vmem>>, %arg3: memref<1x1x1024xi32, #tpu.memory_space<vmem>>, %arg4: memref<1x384xf32, #tpu.memory_space<vmem>>, %arg5: memref<1x384xf32, #tpu.memory_space<vmem>>, %arg6: memref<1x384xf32, #tpu.memory_space<vmem>>, %arg7: memref<384x384xf32, #tpu.memory_space<vmem>>, %arg8: memref<1x384xf32, #tpu.memory_space<vmem>>, %arg9: memref<384x384xf32, #tpu.memory_space<vmem>>, %arg10: memref<1x384xf32, #tpu.memory_space<vmem>>, %arg11: memref<384x384xf32, #tpu.memory_space<vmem>>, %arg12: memref<1x384xf32, #tpu.memory_space<vmem>>, %arg13: memref<1x384xf32, #tpu.memory_space<vmem>>, %arg14: memref<1x384xf32, #tpu.memory_space<vmem>>, %arg15: memref<384x384xf32, #tpu.memory_space<vmem>>, %arg16: memref<1x384xf32, #tpu.memory_space<vmem>>, %arg17: memref<384x384xf32, #tpu.memory_space<vmem>>, %arg18: memref<1x384xf32, #tpu.memory_space<vmem>>, %arg19: memref<384x384xf32, #tpu.memory_space<vmem>>, %arg20: memref<1x384xf32, #tpu.memory_space<vmem>>, %arg21: memref<384x256xf32, #tpu.memory_space<vmem>>, %arg22: memref<1x256xf32, #tpu.memory_space<vmem>>, %arg23: memref<1024x384xf32, #tpu.memory_space<vmem>>, %arg24: memref<1024x256xf32, #tpu.memory_space<vmem>>) attributes {dimension_semantics = [#tpu.dimension_semantics<arbitrary>], iteration_bounds = array<i64: 8>, scalar_prefetch = 0 : i64, scratch_operands = 0 : i64, tpu.core_type = #tpu.core_type<tc>, window_params = [{transform_indices = @transform_0, window_bounds = array<i64: 1024, 384>}, {pipeline_mode = #tpu.pipeline_mode<synchronous>, transform_indices = @transform_1, window_bounds = array<i64: 1024, 384>}, {transform_indices = @transform_2, window_bounds = array<i64: 1, 1, 1024>}, {pipeline_mode = #tpu.pipeline_mode<synchronous>, transform_indices = @transform_3, window_bounds = array<i64: 1, 384>}, {pipeline_mode = #tpu.pipeline_mode<synchronous>, transform_indices = @transform_4, window_bounds = array<i64: 1, 384>}, {pipeline_mode = #tpu.pipeline_mode<synchronous>, transform_indices = @transform_5, window_bounds = array<i64: 1, 384>}, {pipeline_mode = #tpu.pipeline_mode<synchronous>, transform_indices = @transform_6, window_bounds = array<i64: 384, 384>}, {pipeline_mode = #tpu.pipeline_mode<synchronous>, transform_indices = @transform_7, window_bounds = array<i64: 1, 384>}, {pipeline_mode = #tpu.pipeline_mode<synchronous>, transform_indices = @transform_8, window_bounds = array<i64: 384, 384>}, {pipeline_mode = #tpu.pipeline_mode<synchronous>, transform_indices = @transform_9, window_bounds = array<i64: 1, 384>}, {pipeline_mode = #tpu.pipeline_mode<synchronous>, transform_indices = @transform_10, window_bounds = array<i64: 384, 384>}, {pipeline_mode = #tpu.pipeline_mode<synchronous>, transform_indices = @transform_11, window_bounds = array<i64: 1, 384>}, {pipeline_mode = #tpu.pipeline_mode<synchronous>, transform_indices = @transform_12, window_bounds = array<i64: 1, 384>}, {pipeline_mode = #tpu.pipeline_mode<synchronous>, transform_indices = @transform_13, window_bounds = array<i64: 1, 384>}, {pipeline_mode = #tpu.pipeline_mode<synchronous>, transform_indices = @transform_14, window_bounds = array<i64: 384, 384>}, {pipeline_mode = #tpu.pipeline_mode<synchronous>, transform_indices = @transform_15, window_bounds = array<i64: 1, 384>}, {pipeline_mode = #tpu.pipeline_mode<synchronous>, transform_indices = @transform_16, window_bounds = array<i64: 384, 384>}, {pipeline_mode = #tpu.pipeline_mode<synchronous>, transform_indices = @transform_17, window_bounds = array<i64: 1, 384>}, {pipeline_mode = #tpu.pipeline_mode<synchronous>, transform_indices = @transform_18, window_bounds = array<i64: 384, 384>}, {pipeline_mode = #tpu.pipeline_mode<synchronous>, transform_indices = @transform_19, window_bounds = array<i64: 1, 384>}, {pipeline_mode = #tpu.pipeline_mode<synchronous>, transform_indices = @transform_20, window_bounds = array<i64: 384, 256>}, {pipeline_mode = #tpu.pipeline_mode<synchronous>, transform_indices = @transform_21, window_bounds = array<i64: 1, 256>}, {transform_indices = @transform_22, window_bounds = array<i64: 1024, 384>}, {transform_indices = @transform_23, window_bounds = array<i64: 1024, 256>}]} {
    %iota3A = tpu.iota {dimensions = array<i32: 0>} : vector<1024x1024xi32>
    %get3A = arith.constant 0 : index
    %get3A_0 = arith.constant 0 : index
    %get3A_1 = arith.constant 0 : index
    %get3A_2 = vector.load %arg3[%get3A, %get3A_0, %get3A_1] : memref<1x1x1024xi32, #tpu.memory_space<vmem>>, vector<1x1x1024xi32>
    %get3A_3 = vector.shape_cast %get3A_2 : vector<1x1x1024xi32> to vector<1x1024xi32>
    %eq3A = vector.broadcast %get3A_3 : vector<1x1024xi32> to vector<1024x1024xi32>
    %eq3A_4 = arith.cmpi eq, %iota3A, %eq3A : vector<1024x1024xi32>
    %convert_element_type3A = arith.extui %eq3A_4 : vector<1024x1024xi1> to vector<1024x1024xi32>
    %convert_element_type3A_5 = arith.sitofp %convert_element_type3A : vector<1024x1024xi32> to vector<1024x1024xf32>
    %get3A_6 = arith.constant 0 : index
    %get3A_7 = arith.constant 0 : index
    %get3A_8 = vector.load %arg1[%get3A_6, %get3A_7] : memref<1024x384xf32, #tpu.memory_space<vmem>>, vector<1024x384xf32>
    %get3A_9 = arith.constant 0 : index
    %get3A_10 = arith.constant 0 : index
    %get3A_11 = vector.load %arg2[%get3A_9, %get3A_10] : memref<1024x384xf32, #tpu.memory_space<vmem>>, vector<1024x384xf32>
    %dot_general3A = arith.constant dense<0.000000e+00> : vector<1024x384xf32>
    %dot_general3A_12 = tpu.matmul %convert_element_type3A_5, %get3A_11, %dot_general3A {dimension_numbers = #tpu.dot_dimension_numbers<[0], [0], [1], [1], [0, 1, 1, 1], [], []>, transpose_lhs_hint = false} : vector<1024x1024xf32>, vector<1024x384xf32>, vector<1024x384xf32> -> vector<1024x384xf32>
    %add3A = arith.addf %get3A_8, %dot_general3A_12 : vector<1024x384xf32>
    %get3A_13 = arith.constant 0 : index
    %get3A_14 = arith.constant 0 : index
    %get3A_15 = vector.load %arg4[%get3A_13, %get3A_14] : memref<1x384xf32, #tpu.memory_space<vmem>>, vector<1x384xf32>
    %add3A_16 = vector.broadcast %get3A_15 : vector<1x384xf32> to vector<1024x384xf32>
    %add3A_17 = arith.addf %add3A, %add3A_16 : vector<1024x384xf32>
    %get3A_18 = arith.constant 0 : index
    %get3A_19 = arith.constant 0 : index
    %get3A_20 = vector.load %arg5[%get3A_18, %get3A_19] : memref<1x384xf32, #tpu.memory_space<vmem>>, vector<1x384xf32>
    %get3A_21 = arith.constant 0 : index
    %get3A_22 = arith.constant 0 : index
    %get3A_23 = vector.load %arg6[%get3A_21, %get3A_22] : memref<1x384xf32, #tpu.memory_space<vmem>>, vector<1x384xf32>
    %reduce_sum3A = arith.constant dense<0.000000e+00> : vector<1024xf32>
    %reduce_sum3A_24 = vector.multi_reduction <add>, %add3A_17, %reduce_sum3A [1] : vector<1024x384xf32> to vector<1024xf32>
    %broadcast_in_dim3A = vector.shape_cast %reduce_sum3A_24 : vector<1024xf32> to vector<1024x1xf32>
    %div3A = arith.constant 3.840000e+02 : f32
    %div3A_25 = vector.broadcast %div3A : f32 to vector<1024x1xf32>
    %div3A_26 = arith.divf %broadcast_in_dim3A, %div3A_25 : vector<1024x1xf32>
    %sub3A = vector.broadcast %div3A_26 : vector<1024x1xf32> to vector<1024x384xf32>
    %sub3A_27 = arith.subf %add3A_17, %sub3A : vector<1024x384xf32>
    %mul3A = arith.mulf %sub3A_27, %sub3A_27 : vector<1024x384xf32>
    %reduce_sum3A_28 = arith.constant dense<0.000000e+00> : vector<1024xf32>
    %reduce_sum3A_29 = vector.multi_reduction <add>, %mul3A, %reduce_sum3A_28 [1] : vector<1024x384xf32> to vector<1024xf32>
    %broadcast_in_dim3A_30 = vector.shape_cast %reduce_sum3A_29 : vector<1024xf32> to vector<1024x1xf32>
    %div3A_31 = arith.constant 3.840000e+02 : f32
    %div3A_32 = vector.broadcast %div3A_31 : f32 to vector<1024x1xf32>
    %div3A_33 = arith.divf %broadcast_in_dim3A_30, %div3A_32 : vector<1024x1xf32>
    %add3A_34 = arith.constant 1.000000e-03 : f32
    %add3A_35 = vector.broadcast %add3A_34 : f32 to vector<1024x1xf32>
    %add3A_36 = arith.addf %div3A_33, %add3A_35 : vector<1024x1xf32>
    %rsqrt3A = math.rsqrt %add3A_36 : vector<1024x1xf32>
    %mul3A_37 = vector.broadcast %rsqrt3A : vector<1024x1xf32> to vector<1024x384xf32>
    %mul3A_38 = arith.mulf %sub3A_27, %mul3A_37 : vector<1024x384xf32>
    %mul3A_39 = vector.broadcast %get3A_20 : vector<1x384xf32> to vector<1024x384xf32>
    %mul3A_40 = arith.mulf %mul3A_38, %mul3A_39 : vector<1024x384xf32>
    %add3A_41 = vector.broadcast %get3A_23 : vector<1x384xf32> to vector<1024x384xf32>
    %add3A_42 = arith.addf %mul3A_40, %add3A_41 : vector<1024x384xf32>
    %get3A_43 = arith.constant 0 : index
    %get3A_44 = arith.constant 0 : index
    %get3A_45 = vector.load %arg7[%get3A_43, %get3A_44] : memref<384x384xf32, #tpu.memory_space<vmem>>, vector<384x384xf32>
    %dot_general3A_46 = arith.constant dense<0.000000e+00> : vector<1024x384xf32>
    %dot_general3A_47 = tpu.matmul %add3A_42, %get3A_45, %dot_general3A_46 {dimension_numbers = #tpu.dot_dimension_numbers<[1], [0], [0], [1], [0, 0, 1, 1], [], []>, transpose_lhs_hint = false} : vector<1024x384xf32>, vector<384x384xf32>, vector<1024x384xf32> -> vector<1024x384xf32>
    %get3A_48 = arith.constant 0 : index
    %get3A_49 = arith.constant 0 : index
    %get3A_50 = vector.load %arg8[%get3A_48, %get3A_49] : memref<1x384xf32, #tpu.memory_space<vmem>>, vector<1x384xf32>
    %add3A_51 = vector.broadcast %get3A_50 : vector<1x384xf32> to vector<1024x384xf32>
    %add3A_52 = arith.addf %dot_general3A_47, %add3A_51 : vector<1024x384xf32>
    %logistic3A = arith.negf %add3A_52 : vector<1024x384xf32>
    %logistic3A_53 = math.exp %logistic3A : vector<1024x384xf32>
    %logistic3A_54 = arith.constant 1.000000e+00 : f32
    %logistic3A_55 = vector.broadcast %logistic3A_54 : f32 to vector<1024x384xf32>
    %logistic3A_56 = arith.addf %logistic3A_55, %logistic3A_53 : vector<1024x384xf32>
    %logistic3A_57 = arith.divf %logistic3A_55, %logistic3A_56 : vector<1024x384xf32>
    %get3A_58 = arith.constant 0 : index
    %get3A_59 = arith.constant 0 : index
    %get3A_60 = vector.load %arg9[%get3A_58, %get3A_59] : memref<384x384xf32, #tpu.memory_space<vmem>>, vector<384x384xf32>
    %dot_general3A_61 = arith.constant dense<0.000000e+00> : vector<1024x384xf32>
    %dot_general3A_62 = tpu.matmul %add3A_42, %get3A_60, %dot_general3A_61 {dimension_numbers = #tpu.dot_dimension_numbers<[1], [0], [0], [1], [0, 0, 1, 1], [], []>, transpose_lhs_hint = false} : vector<1024x384xf32>, vector<384x384xf32>, vector<1024x384xf32> -> vector<1024x384xf32>
    %get3A_63 = arith.constant 0 : index
    %get3A_64 = arith.constant 0 : index
    %get3A_65 = vector.load %arg10[%get3A_63, %get3A_64] : memref<1x384xf32, #tpu.memory_space<vmem>>, vector<1x384xf32>
    %add3A_66 = vector.broadcast %get3A_65 : vector<1x384xf32> to vector<1024x384xf32>
    %add3A_67 = arith.addf %dot_general3A_62, %add3A_66 : vector<1024x384xf32>
    %max3A = arith.constant 0.000000e+00 : f32
    %max3A_68 = vector.broadcast %max3A : f32 to vector<1024x384xf32>
    %max3A_69 = arith.maximumf %add3A_67, %max3A_68 : vector<1024x384xf32>
    %get3A_70 = arith.constant 0 : index
    %get3A_71 = arith.constant 0 : index
    %get3A_72 = vector.load %arg11[%get3A_70, %get3A_71] : memref<384x384xf32, #tpu.memory_space<vmem>>, vector<384x384xf32>
    %dot_general3A_73 = arith.constant dense<0.000000e+00> : vector<1024x384xf32>
    %dot_general3A_74 = tpu.matmul %max3A_69, %get3A_72, %dot_general3A_73 {dimension_numbers = #tpu.dot_dimension_numbers<[1], [0], [0], [1], [0, 0, 1, 1], [], []>, transpose_lhs_hint = false} : vector<1024x384xf32>, vector<384x384xf32>, vector<1024x384xf32> -> vector<1024x384xf32>
    %get3A_75 = arith.constant 0 : index
    %get3A_76 = arith.constant 0 : index
    %get3A_77 = vector.load %arg12[%get3A_75, %get3A_76] : memref<1x384xf32, #tpu.memory_space<vmem>>, vector<1x384xf32>
    %add3A_78 = vector.broadcast %get3A_77 : vector<1x384xf32> to vector<1024x384xf32>
    %add3A_79 = arith.addf %dot_general3A_74, %add3A_78 : vector<1024x384xf32>
    %mul3A_80 = arith.mulf %logistic3A_57, %add3A_79 : vector<1024x384xf32>
    %add3A_81 = arith.addf %add3A_42, %mul3A_80 : vector<1024x384xf32>
    %get3A_82 = arith.constant 0 : index
    %get3A_83 = arith.constant 0 : index
    %get3A_84 = vector.load %arg13[%get3A_82, %get3A_83] : memref<1x384xf32, #tpu.memory_space<vmem>>, vector<1x384xf32>
    %get3A_85 = arith.constant 0 : index
    %get3A_86 = arith.constant 0 : index
    %get3A_87 = vector.load %arg14[%get3A_85, %get3A_86] : memref<1x384xf32, #tpu.memory_space<vmem>>, vector<1x384xf32>
    %reduce_sum3A_88 = arith.constant dense<0.000000e+00> : vector<1024xf32>
    %reduce_sum3A_89 = vector.multi_reduction <add>, %add3A_81, %reduce_sum3A_88 [1] : vector<1024x384xf32> to vector<1024xf32>
    %broadcast_in_dim3A_90 = vector.shape_cast %reduce_sum3A_89 : vector<1024xf32> to vector<1024x1xf32>
    %div3A_91 = arith.constant 3.840000e+02 : f32
    %div3A_92 = vector.broadcast %div3A_91 : f32 to vector<1024x1xf32>
    %div3A_93 = arith.divf %broadcast_in_dim3A_90, %div3A_92 : vector<1024x1xf32>
    %sub3A_94 = vector.broadcast %div3A_93 : vector<1024x1xf32> to vector<1024x384xf32>
    %sub3A_95 = arith.subf %add3A_81, %sub3A_94 : vector<1024x384xf32>
    %mul3A_96 = arith.mulf %sub3A_95, %sub3A_95 : vector<1024x384xf32>
    %reduce_sum3A_97 = arith.constant dense<0.000000e+00> : vector<1024xf32>
    %reduce_sum3A_98 = vector.multi_reduction <add>, %mul3A_96, %reduce_sum3A_97 [1] : vector<1024x384xf32> to vector<1024xf32>
    %broadcast_in_dim3A_99 = vector.shape_cast %reduce_sum3A_98 : vector<1024xf32> to vector<1024x1xf32>
    %div3A_100 = arith.constant 3.840000e+02 : f32
    %div3A_101 = vector.broadcast %div3A_100 : f32 to vector<1024x1xf32>
    %div3A_102 = arith.divf %broadcast_in_dim3A_99, %div3A_101 : vector<1024x1xf32>
    %add3A_103 = arith.constant 1.000000e-03 : f32
    %add3A_104 = vector.broadcast %add3A_103 : f32 to vector<1024x1xf32>
    %add3A_105 = arith.addf %div3A_102, %add3A_104 : vector<1024x1xf32>
    %rsqrt3A_106 = math.rsqrt %add3A_105 : vector<1024x1xf32>
    %mul3A_107 = vector.broadcast %rsqrt3A_106 : vector<1024x1xf32> to vector<1024x384xf32>
    %mul3A_108 = arith.mulf %sub3A_95, %mul3A_107 : vector<1024x384xf32>
    %mul3A_109 = vector.broadcast %get3A_84 : vector<1x384xf32> to vector<1024x384xf32>
    %mul3A_110 = arith.mulf %mul3A_108, %mul3A_109 : vector<1024x384xf32>
    %add3A_111 = vector.broadcast %get3A_87 : vector<1x384xf32> to vector<1024x384xf32>
    %add3A_112 = arith.addf %mul3A_110, %add3A_111 : vector<1024x384xf32>
    %get3A_113 = arith.constant 0 : index
    %get3A_114 = arith.constant 0 : index
    %get3A_115 = vector.load %arg15[%get3A_113, %get3A_114] : memref<384x384xf32, #tpu.memory_space<vmem>>, vector<384x384xf32>
    %dot_general3A_116 = arith.constant dense<0.000000e+00> : vector<1024x384xf32>
    %dot_general3A_117 = tpu.matmul %add3A_112, %get3A_115, %dot_general3A_116 {dimension_numbers = #tpu.dot_dimension_numbers<[1], [0], [0], [1], [0, 0, 1, 1], [], []>, transpose_lhs_hint = false} : vector<1024x384xf32>, vector<384x384xf32>, vector<1024x384xf32> -> vector<1024x384xf32>
    %get3A_118 = arith.constant 0 : index
    %get3A_119 = arith.constant 0 : index
    %get3A_120 = vector.load %arg16[%get3A_118, %get3A_119] : memref<1x384xf32, #tpu.memory_space<vmem>>, vector<1x384xf32>
    %add3A_121 = vector.broadcast %get3A_120 : vector<1x384xf32> to vector<1024x384xf32>
    %add3A_122 = arith.addf %dot_general3A_117, %add3A_121 : vector<1024x384xf32>
    %logistic3A_123 = arith.negf %add3A_122 : vector<1024x384xf32>
    %logistic3A_124 = math.exp %logistic3A_123 : vector<1024x384xf32>
    %logistic3A_125 = arith.constant 1.000000e+00 : f32
    %logistic3A_126 = vector.broadcast %logistic3A_125 : f32 to vector<1024x384xf32>
    %logistic3A_127 = arith.addf %logistic3A_126, %logistic3A_124 : vector<1024x384xf32>
    %logistic3A_128 = arith.divf %logistic3A_126, %logistic3A_127 : vector<1024x384xf32>
    %get3A_129 = arith.constant 0 : index
    %get3A_130 = arith.constant 0 : index
    %get3A_131 = vector.load %arg17[%get3A_129, %get3A_130] : memref<384x384xf32, #tpu.memory_space<vmem>>, vector<384x384xf32>
    %dot_general3A_132 = arith.constant dense<0.000000e+00> : vector<1024x384xf32>
    %dot_general3A_133 = tpu.matmul %add3A_112, %get3A_131, %dot_general3A_132 {dimension_numbers = #tpu.dot_dimension_numbers<[1], [0], [0], [1], [0, 0, 1, 1], [], []>, transpose_lhs_hint = false} : vector<1024x384xf32>, vector<384x384xf32>, vector<1024x384xf32> -> vector<1024x384xf32>
    %get3A_134 = arith.constant 0 : index
    %get3A_135 = arith.constant 0 : index
    %get3A_136 = vector.load %arg18[%get3A_134, %get3A_135] : memref<1x384xf32, #tpu.memory_space<vmem>>, vector<1x384xf32>
    %add3A_137 = vector.broadcast %get3A_136 : vector<1x384xf32> to vector<1024x384xf32>
    %add3A_138 = arith.addf %dot_general3A_133, %add3A_137 : vector<1024x384xf32>
    %max3A_139 = arith.constant 0.000000e+00 : f32
    %max3A_140 = vector.broadcast %max3A_139 : f32 to vector<1024x384xf32>
    %max3A_141 = arith.maximumf %add3A_138, %max3A_140 : vector<1024x384xf32>
    %get3A_142 = arith.constant 0 : index
    %get3A_143 = arith.constant 0 : index
    %get3A_144 = vector.load %arg19[%get3A_142, %get3A_143] : memref<384x384xf32, #tpu.memory_space<vmem>>, vector<384x384xf32>
    %dot_general3A_145 = arith.constant dense<0.000000e+00> : vector<1024x384xf32>
    %dot_general3A_146 = tpu.matmul %max3A_141, %get3A_144, %dot_general3A_145 {dimension_numbers = #tpu.dot_dimension_numbers<[1], [0], [0], [1], [0, 0, 1, 1], [], []>, transpose_lhs_hint = false} : vector<1024x384xf32>, vector<384x384xf32>, vector<1024x384xf32> -> vector<1024x384xf32>
    %get3A_147 = arith.constant 0 : index
    %get3A_148 = arith.constant 0 : index
    %get3A_149 = vector.load %arg20[%get3A_147, %get3A_148] : memref<1x384xf32, #tpu.memory_space<vmem>>, vector<1x384xf32>
    %add3A_150 = vector.broadcast %get3A_149 : vector<1x384xf32> to vector<1024x384xf32>
    %add3A_151 = arith.addf %dot_general3A_146, %add3A_150 : vector<1024x384xf32>
    %mul3A_152 = arith.mulf %logistic3A_128, %add3A_151 : vector<1024x384xf32>
    %add3A_153 = arith.addf %add3A_112, %mul3A_152 : vector<1024x384xf32>
    %swap3A = arith.constant 0 : index
    %swap3A_154 = arith.constant 0 : index
    %swap3A_155 = vector.load %arg23[%swap3A, %swap3A_154] : memref<1024x384xf32, #tpu.memory_space<vmem>>, vector<1024x384xf32>
    tpu.vector_store %arg23[%swap3A, %swap3A_154], %add3A_153 {strides = array<i32>} : memref<1024x384xf32, #tpu.memory_space<vmem>>, vector<1024x384xf32>,
    %max3A_156 = arith.constant 0.000000e+00 : f32
    %max3A_157 = vector.broadcast %max3A_156 : f32 to vector<1024x384xf32>
    %max3A_158 = arith.maximumf %add3A_153, %max3A_157 : vector<1024x384xf32>
    %get3A_159 = arith.constant 0 : index
    %get3A_160 = arith.constant 0 : index
    %get3A_161 = vector.load %arg21[%get3A_159, %get3A_160] : memref<384x256xf32, #tpu.memory_space<vmem>>, vector<384x256xf32>
    %dot_general3A_162 = arith.constant dense<0.000000e+00> : vector<1024x256xf32>
    %dot_general3A_163 = tpu.matmul %max3A_158, %get3A_161, %dot_general3A_162 {dimension_numbers = #tpu.dot_dimension_numbers<[1], [0], [0], [1], [0, 0, 1, 1], [], []>, transpose_lhs_hint = false} : vector<1024x384xf32>, vector<384x256xf32>, vector<1024x256xf32> -> vector<1024x256xf32>
    %get3A_164 = arith.constant 0 : index
    %get3A_165 = arith.constant 0 : index
    %get3A_166 = vector.load %arg22[%get3A_164, %get3A_165] : memref<1x256xf32, #tpu.memory_space<vmem>>, vector<1x256xf32>
    %add3A_167 = vector.broadcast %get3A_166 : vector<1x256xf32> to vector<1024x256xf32>
    %add3A_168 = arith.addf %dot_general3A_163, %add3A_167 : vector<1024x256xf32>
    %iota3A_169 = tpu.iota {dimensions = array<i32: 1>} : vector<1024x256xi32>
    %ge3A = arith.constant 128 : i32
    %ge3A_170 = vector.broadcast %ge3A : i32 to vector<1024x256xi32>
    %ge3A_171 = arith.cmpi sge, %iota3A_169, %ge3A_170 : vector<1024x256xi32>
    %logistic3A_172 = arith.negf %add3A_168 : vector<1024x256xf32>
    %logistic3A_173 = math.exp %logistic3A_172 : vector<1024x256xf32>
    %logistic3A_174 = arith.constant 1.000000e+00 : f32
    %logistic3A_175 = vector.broadcast %logistic3A_174 : f32 to vector<1024x256xf32>
    %logistic3A_176 = arith.addf %logistic3A_175, %logistic3A_173 : vector<1024x256xf32>
    %logistic3A_177 = arith.divf %logistic3A_175, %logistic3A_176 : vector<1024x256xf32>
    %select_n3A = arith.select %ge3A_171, %logistic3A_177, %add3A_168 : vector<1024x256xi1>, vector<1024x256xf32>
    %swap3A_178 = arith.constant 0 : index
    %swap3A_179 = arith.constant 0 : index
    %swap3A_180 = vector.load %arg24[%swap3A_178, %swap3A_179] : memref<1024x256xf32, #tpu.memory_space<vmem>>, vector<1024x256xf32>
    tpu.vector_store %arg24[%swap3A_178, %swap3A_179], %select_n3A {strides = array<i32>} : memref<1024x256xf32, #tpu.memory_space<vmem>>, vector<1024x256xf32>,
    return
  }
  func.func @transform_0(%arg0: i32) -> (i32, i32) {
    %min3A = arith.constant 7 : i32
    %min3A_0 = arith.minsi %arg0, %min3A : i32
    %c0_i32 = arith.constant 0 : i32
    %c0_i32_1 = arith.constant 0 : i32
    return %min3A_0, %c0_i32 : i32, i32
  }
  func.func @transform_1(%arg0: i32) -> (i32, i32) {
    %c0_i32 = arith.constant 0 : i32
    %c0_i32_0 = arith.constant 0 : i32
    %c0_i32_1 = arith.constant 0 : i32
    return %c0_i32, %c0_i32_0 : i32, i32
  }
  func.func @transform_2(%arg0: i32) -> (i32, i32, i32) {
    %c0_i32 = arith.constant 0 : i32
    %c0_i32_0 = arith.constant 0 : i32
    %c0_i32_1 = arith.constant 0 : i32
    return %arg0, %c0_i32, %c0_i32_0 : i32, i32, i32
  }
  func.func @transform_3(%arg0: i32) -> (i32, i32) {
    %c0_i32 = arith.constant 0 : i32
    %c0_i32_0 = arith.constant 0 : i32
    %c0_i32_1 = arith.constant 0 : i32
    return %c0_i32, %c0_i32_0 : i32, i32
  }
  func.func @transform_4(%arg0: i32) -> (i32, i32) {
    %c0_i32 = arith.constant 0 : i32
    %c0_i32_0 = arith.constant 0 : i32
    %c0_i32_1 = arith.constant 0 : i32
    return %c0_i32, %c0_i32_0 : i32, i32
  }
  func.func @transform_5(%arg0: i32) -> (i32, i32) {
    %c0_i32 = arith.constant 0 : i32
    %c0_i32_0 = arith.constant 0 : i32
    %c0_i32_1 = arith.constant 0 : i32
    return %c0_i32, %c0_i32_0 : i32, i32
  }
  func.func @transform_6(%arg0: i32) -> (i32, i32) {
    %c0_i32 = arith.constant 0 : i32
    %c0_i32_0 = arith.constant 0 : i32
    %c0_i32_1 = arith.constant 0 : i32
    return %c0_i32, %c0_i32_0 : i32, i32
  }
  func.func @transform_7(%arg0: i32) -> (i32, i32) {
    %c0_i32 = arith.constant 0 : i32
    %c0_i32_0 = arith.constant 0 : i32
    %c0_i32_1 = arith.constant 0 : i32
    return %c0_i32, %c0_i32_0 : i32, i32
  }
  func.func @transform_8(%arg0: i32) -> (i32, i32) {
    %c0_i32 = arith.constant 0 : i32
    %c0_i32_0 = arith.constant 0 : i32
    %c0_i32_1 = arith.constant 0 : i32
    return %c0_i32, %c0_i32_0 : i32, i32
  }
  func.func @transform_9(%arg0: i32) -> (i32, i32) {
    %c0_i32 = arith.constant 0 : i32
    %c0_i32_0 = arith.constant 0 : i32
    %c0_i32_1 = arith.constant 0 : i32
    return %c0_i32, %c0_i32_0 : i32, i32
  }
  func.func @transform_10(%arg0: i32) -> (i32, i32) {
    %c0_i32 = arith.constant 0 : i32
    %c0_i32_0 = arith.constant 0 : i32
    %c0_i32_1 = arith.constant 0 : i32
    return %c0_i32, %c0_i32_0 : i32, i32
  }
  func.func @transform_11(%arg0: i32) -> (i32, i32) {
    %c0_i32 = arith.constant 0 : i32
    %c0_i32_0 = arith.constant 0 : i32
    %c0_i32_1 = arith.constant 0 : i32
    return %c0_i32, %c0_i32_0 : i32, i32
  }
  func.func @transform_12(%arg0: i32) -> (i32, i32) {
    %c0_i32 = arith.constant 0 : i32
    %c0_i32_0 = arith.constant 0 : i32
    %c0_i32_1 = arith.constant 0 : i32
    return %c0_i32, %c0_i32_0 : i32, i32
  }
  func.func @transform_13(%arg0: i32) -> (i32, i32) {
    %c0_i32 = arith.constant 0 : i32
    %c0_i32_0 = arith.constant 0 : i32
    %c0_i32_1 = arith.constant 0 : i32
    return %c0_i32, %c0_i32_0 : i32, i32
  }
  func.func @transform_14(%arg0: i32) -> (i32, i32) {
    %c0_i32 = arith.constant 0 : i32
    %c0_i32_0 = arith.constant 0 : i32
    %c0_i32_1 = arith.constant 0 : i32
    return %c0_i32, %c0_i32_0 : i32, i32
  }
  func.func @transform_15(%arg0: i32) -> (i32, i32) {
    %c0_i32 = arith.constant 0 : i32
    %c0_i32_0 = arith.constant 0 : i32
    %c0_i32_1 = arith.constant 0 : i32
    return %c0_i32, %c0_i32_0 : i32, i32
  }
  func.func @transform_16(%arg0: i32) -> (i32, i32) {
    %c0_i32 = arith.constant 0 : i32
    %c0_i32_0 = arith.constant 0 : i32
    %c0_i32_1 = arith.constant 0 : i32
    return %c0_i32, %c0_i32_0 : i32, i32
  }
  func.func @transform_17(%arg0: i32) -> (i32, i32) {
    %c0_i32 = arith.constant 0 : i32
    %c0_i32_0 = arith.constant 0 : i32
    %c0_i32_1 = arith.constant 0 : i32
    return %c0_i32, %c0_i32_0 : i32, i32
  }
  func.func @transform_18(%arg0: i32) -> (i32, i32) {
    %c0_i32 = arith.constant 0 : i32
    %c0_i32_0 = arith.constant 0 : i32
    %c0_i32_1 = arith.constant 0 : i32
    return %c0_i32, %c0_i32_0 : i32, i32
  }
  func.func @transform_19(%arg0: i32) -> (i32, i32) {
    %c0_i32 = arith.constant 0 : i32
    %c0_i32_0 = arith.constant 0 : i32
    %c0_i32_1 = arith.constant 0 : i32
    return %c0_i32, %c0_i32_0 : i32, i32
  }
  func.func @transform_20(%arg0: i32) -> (i32, i32) {
    %c0_i32 = arith.constant 0 : i32
    %c0_i32_0 = arith.constant 0 : i32
    %c0_i32_1 = arith.constant 0 : i32
    return %c0_i32, %c0_i32_0 : i32, i32
  }
  func.func @transform_21(%arg0: i32) -> (i32, i32) {
    %c0_i32 = arith.constant 0 : i32
    %c0_i32_0 = arith.constant 0 : i32
    %c0_i32_1 = arith.constant 0 : i32
    return %c0_i32, %c0_i32_0 : i32, i32
  }
  func.func @transform_22(%arg0: i32) -> (i32, i32) {
    %c0_i32 = arith.constant 0 : i32
    %c0_i32_0 = arith.constant 0 : i32
    return %arg0, %c0_i32 : i32, i32
  }
  func.func @transform_23(%arg0: i32) -> (i32, i32) {
    %c0_i32 = arith.constant 0 : i32
    %c0_i32_0 = arith.constant 0 : i32
    return %arg0, %c0_i32 : i32, i32
  }
}

</mosaic_0001>

<sc_bundles>
// kernel: gather_offload_async_start.1
scs
__scs_entry_jumppad:
0x0: {  	(pc) =	sbr.rel $0x88, $3  }
0x1: {  	(tag) =	ssettag $0x0;
	lr =	simm.s32 $0x1  }
0x2: {  	[smem:$0x3F69] =	sst lr;
	_ =	strace $0xD0000000  }
0x3: {  	_ = 	snop  }
0x4: {  	_ = 	snop  }
0x5: {  	_ = 	snop  }
0x6: {  	_ = 	snop  }
0x7: {  	_ = 	snop  }
__scs_overlays_trampoline_lowered:
0x8: {  	[smem:$0x3F78] =	sst s0  }
0x9: {  	[smem:$0x3F79] =	sst s1  }
0xa: {  	[smem:$0x3F7A] =	sst s2  }
0xb: {  	[smem:$0x3F7B] =	sst s3  }
0xc: {  	[smem:$0x3F7C] =	sst s4  }
0xd: {  	[smem:$0x3F7D] =	sst s5  }
0xe: {  	[smem:$0x3F7E] =	sst s6  }
0xf: {  	[smem:$0x3F7F] =	sst s7  }
0x10: {  	[smem:$0x3F80] =	sst s8  }
0x11: {  	[smem:$0x3F81] =	sst s9;
	s0 =	simm.s32 @!p0 $0x0  }
0x12: {  	s1 =	sld [smem:$0x3F67];
	s0 =	simm.s32 @p0 $0x1  }
0x13: {  	[smem:$0x3F82] =	sst s0;
	s0 =	simm.s32 @!p1 $0x0  }
0x14: {  	s2 =	sld [smem:$0x3F66];
	s0 =	simm.s32 @p1 $0x1  }
0x15: {  	[smem:$0x3F83] =	sst s0;
	s0 =	simm.s32 @!p2 $0x0  }
0x16: {  	s3 =	sld [smem:$0x3FDB];
	s0 =	simm.s32 @p2 $0x1  }
0x17: {  	s4 =	simm.s32 $0x1BF5;
	[smem:$0x3F85] =	sst s0  }
0x18: {  	s0 =	sld [smem:$0x3F68];
	_ =	swait.ge [sflag:s4], $0x0  }
0x19: {  	s7 =	sld [smem:$0x3F69]  }
0x1a: {  	s8 =	sadd.s32 $0xFFFFE003, lr  }
0x1b: {  	s9 =	sadd.s32 $0xFFFFFEF7, lr;
	s5 =	simm.s32 $0xFFFFFFFF;
	p2 =	slt.u32 s8, $0xFFFFF086  }
0x1c: {  	p1 =	slt.u32 s9, $0xF7A;
	s5 =	simm.s32 @!p2 $0x0  }
0x1d: {  	s5 =	simm.s32 @p1 $0x1;
	p0 =	seq.s32 s7, s2  }
0x1e: {  	s7 =	smul.u32 @!p0 $0xF7A, s2;
	p2 =	seq.s32 @!p0 s5, $0x0  }
0x1f: {  	s9 =	smul.u32 $0xF7A, s1;
	s8 =	simm.s32 @!p0 $0x1BF5;
	p2 =	por !p2, p0  }
0x20: {  	[sflag:s8] =	ssyncset.s32 @!p0 $0xFFFFF086;
	s6 =	sadd.s32 @!p0 s3, s7;
	s7 =	simm.s32 @!p0 $0x108  }
0x21: {  	s3 =	sadd.s32 s3, s9;
	s6 =	sadd.s32 @!p0 $0x88, s6;
	s7 =	simm.s32 @p2 $0x1082  }
0x22: {  	[simem:s7], [sflag:s8] =	dma.local @!p0 [hbm:s6], $0xF7A  }
0x23: {  	s9 =	sor.u32 $0xD0000000, s2;
	s6 =	simm.s32 $0x108;
	_ =	swait.ge @!p0 [sflag:s8], $0x0  }
0x24: {  	s3 =	sadd.s32 $0x88, s3;
	s6 =	simm.s32 @!p1 $0x1082;
	[sflag:s4] =	ssyncset.s32 $0xFFFFF086  }
0x25: {  	[simem:s6], [sflag:s4] =	dma.local [hbm:s3], $0xF7A  }
0x26: {  	[smem:$0x3F69] =	sst s1;
	(tag) =	ssettag s2;
	_ =	strace s9  }
0x27: {  	s1 =	sld [smem:$0x3F79]  }
0x28: {  	s2 =	sld [smem:$0x3F7A]  }
0x29: {  	s4 =	sld [smem:$0x3F7C]  }
0x2a: {  	p0 =	seq.s32 s5, $0x0;
	s5 =	sld [smem:$0x3F7D]  }
0x2b: {  	s6 =	sld [smem:$0x3F7E]  }
0x2c: {  	s7 =	sld [smem:$0x3F7F]  }
0x2d: {  	s3 =	simm.s32 $0x108;
	s8 =	sld [smem:$0x3F80]  }
0x2e: {  	s3 =	simm.s32 @!p0 $0x1082;
	s9 =	sld [smem:$0x3F81]  }
0x2f: {  	lr =	sadd.s32 s0, s3;
	s0 =	sld [smem:$0x3F78]  }
0x30: {  	s3 =	sld [smem:$0x3F7B]  }
0x31: {  	[smem:$0x3F84] =	sst s10  }
0x32: {  	s10 =	sld [smem:$0x3F82];
	_ =	sdelay $0x3  }
0x33: {  	p0 =	seq.s32 s10, $0x1;
	s10 =	sld [smem:$0x3F84];
	_ =	sdelay $0x3  }
0x34: {  	[smem:$0x3F84] =	sst s10  }
0x35: {  	s10 =	sld [smem:$0x3F83];
	_ =	sdelay $0x3  }
0x36: {  	p1 =	seq.s32 s10, $0x1;
	s10 =	sld [smem:$0x3F84];
	_ =	sdelay $0x3  }
0x37: {  	[smem:$0x3F84] =	sst s10  }
0x38: {  	s10 =	sld [smem:$0x3F85]  }
0x39: {  	_ = 	snop;
	(pc) =	sbr.ind lr, $3  }
0x3a: {  	_ = 	snop  }
0x3b: {  	_ = 	snop  }
0x3c: {  	p2 =	seq.s32 s10, $0x1;
	s10 =	sld [smem:$0x3F84]  }
0x3d: {  	_ =	shalt  }
0x3e: {  	_ =	shalt  }
0x3f: {  	_ =	shalt  }
0x40: {  	_ =	shalt  }
0x41: {  	_ =	shalt  }
0x42: {  	_ =	shalt  }
0x43: {  	_ =	shalt  }
0x44: {  	_ =	shalt  }
0x45: {  	_ =	shalt  }
0x46: {  	_ =	shalt  }
0x47: {  	_ =	shalt  }
0x48: {  	_ =	shalt  }
0x49: {  	_ =	shalt  }
0x4a: {  	_ =	shalt  }
0x4b: {  	_ =	shalt  }
0x4c: {  	_ =	shalt  }
0x4d: {  	_ =	shalt  }
0x4e: {  	_ =	shalt  }
0x4f: {  	_ =	shalt  }
0x50: {  	_ =	shalt  }
0x51: {  	_ =	shalt  }
0x52: {  	_ =	shalt  }
0x53: {  	_ =	shalt  }
0x54: {  	_ =	shalt  }
0x55: {  	_ =	shalt  }
0x56: {  	_ =	shalt  }
0x57: {  	_ =	shalt  }
0x58: {  	_ =	shalt  }
0x59: {  	_ =	shalt  }
0x5a: {  	_ =	shalt  }
0x5b: {  	_ =	shalt  }
0x5c: {  	_ =	shalt  }
0x5d: {  	_ =	shalt  }
0x5e: {  	_ =	shalt  }
0x5f: {  	_ =	shalt  }
0x60: {  	_ =	shalt  }
0x61: {  	_ =	shalt  }
0x62: {  	_ =	shalt  }
0x63: {  	_ =	shalt  }
0x64: {  	_ =	shalt  }
0x65: {  	_ =	shalt  }
0x66: {  	_ =	shalt  }
0x67: {  	_ =	shalt  }
0x68: {  	_ =	shalt  }
0x69: {  	_ =	shalt  }
0x6a: {  	_ =	shalt  }
0x6b: {  	_ =	shalt  }
0x6c: {  	_ =	shalt  }
0x6d: {  	_ =	shalt  }
0x6e: {  	_ =	shalt  }
0x6f: {  	_ =	shalt  }
0x70: {  	_ =	shalt  }
0x71: {  	_ =	shalt  }
0x72: {  	_ =	shalt  }
0x73: {  	_ =	shalt  }
0x74: {  	_ =	shalt  }
0x75: {  	_ =	shalt  }
0x76: {  	_ =	shalt  }
0x77: {  	_ =	shalt  }
0x78: {  	_ =	shalt  }
0x79: {  	_ =	shalt  }
0x7a: {  	_ =	shalt  }
0x7b: {  	_ =	shalt  }
0x7c: {  	_ =	shalt  }
0x7d: {  	_ =	shalt  }
0x7e: {  	_ =	shalt  }
0x7f: {  	_ =	shalt  }
0x80: {  	_ =	shalt  }
0x81: {  	_ =	shalt  }
0x82: {  	_ =	shalt  }
0x83: {  	_ =	shalt  }
0x84: {  	_ =	shalt  }
0x85: {  	_ =	shalt  }
0x86: {  	_ =	shalt  }
0x87: {  	_ =	shalt  }
.Lfunc_end0:
.L_simem_size_0:
called_computation.1_lowered:
.L_overlay_start_0:
0x88: {  	s2 =	sld [smem:$0x3FD9]  }
0x89: {  	s3 =	sld [smem:$0x3FFE];
	_ =	sdelay $0x1  }
0x8a: {  	s1 =	srdreg.scid  }
0x8b: {  	s0 =	sand.u32 $0x1, s1  }
0x8c: {  	s14 =	sshll.u32 s0, $0xA;
	s2 =	sadd.s32 s3, s2  }
0x8d: {  	s2 =	sadd.s32 s2, s14  }
0x8e: {  	[smem:$0x3F90] =	sst s2  }
0x8f: {  	_ = 	snop  }
0x90: {  	s2 =	sld [smem:$0x3FD0];
	_ =	sdelay $0x2  }
0x91: {  	s15 =	simm.s32 $0xB;
	s4 =	simm.s32 $0x10  }
0x92: {  	[smem:s4], [sflag:s15] =	dma.local [hbm:s2], $0x1  }
0x93: {  	_ =	swait.eq [sflag:s15], $0x1  }
0x94: {  	[sflag:s15] =	ssyncset.done $0x0  }
0x95: {  	[sflag:s15] =	ssyncadd.s32 $0xFFFFFFFF  }
0x96: {  	s16 =	sld [smem:$0x12];
	(tm) =	ssettm $0x1  }
0x97: {  	s17 =	sld [smem:$0x3FFB];
	_ =	sdelay $0x3  }
0x98: {  	_ =	strace s17  }
0x99: {  	s3 =	sld [smem:$0x3FFC];
	_ =	sdelay $0x3  }
0x9a: {  	_ =	strace s3  }
0x9b: {  	s3 =	sld [smem:$0x3FFD];
	_ =	sdelay $0x3  }
0x9c: {  	_ =	strace s3  }
0x9d: {  	_ =	strace $0x8FFFFFFF  }
0x9e: {  	s18 =	sld [smem:$0x3FDB];
	_ =	sdelay $0x1  }
0x9f: {  	s19 =	simm.s32 $_scs_section_size  }
0xa0: {  	s5 =	simm.s32 $_size__tile_overlayer_lowered;
	s6 =	simm.s32 $_tile_overlayer_lowered  }
0xa1: {  	s22 =	simm.s32 $0x1BFF;
	s21 =	sshll.u32 s6, $0x1;
	s3 =	sadd.s32 s19, s18  }
0xa2: {  	s7 =	simm.s32 $0x0;
	s20 =	sshll.u32 s5, $0x1;
	s5 =	sadd.s32 s21, s3  }
0xa3: {  	[timem:s7], [sflag:s22] =	dma.local [hbm:s5], s20  }
0xa4: {  	_ =	swait.ge [sflag:s22], s20  }
0xa5: {  	s4 =	ssub.s32 $0x0, s20;
	[sflag:s22] =	ssyncset.done $0x0  }
0xa6: {  	[sflag:s22] =	ssyncadd.s32 s4;
	_ =	sdelay $0x1  }
0xa7: {  	s23 =	simm.s32 $0x1B8B  }
0xa8: {  	_ =	swait.ge [sflag:s23], $0x1  }
0xa9: {  	[sflag:s23] =	ssyncset.done $0x0  }
0xaa: {  	s25 =	simm.s32 $0x1B8E;
	s24 =	sld [smem:$0x3FFE];
	[sflag:s23] =	ssyncadd.s32 $0xFFFFFFFF  }
0xab: {  	s26 =	simm.s32 $execute0_lowered;
	[smem:$0x3FD2] =	sst s25  }
0xac: {  	s5 =	sshll.u32 s26, $0x1;
	_ =	strace $0x80000049;
	[dreg:$0x1] =	wrdreg $0xFFFFFFFF  }
0xad: {  	s28 =	simm.s32 $_size_execute0_lowered;
	s3 =	sadd.s32 s3, s5;
	[dreg:$0x0] =	wrdreg $0x0  }
0xae: {  	s5 =	sshll.u32 s28, $0x1;
	[dreg:$0x2] =	wrdreg s3  }
0xaf: {  	[dreg:$0x3] =	wrdreg s5  }
0xb0: {  	[dreg:$0x4] =	wrdreg $0xC0  }
0xb1: {  	_ =	task [dreg:s7], $0x5FFFF  }
0xb2: {  	[dreg:$0x1] =	wrdreg $0xFFFFFFFF  }
0xb3: {  	[dreg:$0x0] =	wrdreg $0x60  }
0xb4: {  	[dreg:$0x2] =	wrdreg s16  }
0xb5: {  	[dreg:$0x3] =	wrdreg s24  }
0xb6: {  	[dreg:$0x4] =	wrdreg $0x9  }
0xb7: {  	_ =	task.clear_ibuf [dreg:s7], $0x5FFFF;
	_ =	strace $0x90000049  }
0xb8: {  	s29 =	simm.s32 $0x9;
	_ =	strace $0x8000004B  }
0xb9: {  	_ =	swait.ge [sflag:s29], $0x1  }
0xba: {  	[sflag:s29] =	ssyncadd.s32 $0xFFFFFFFF  }
0xbb: {  	_ =	strace $0x9000004B  }
0xbc: {  	_ =	sfence  }
0xbd: {  	s30 =	sld [smem:$0x0];
	_ =	sdelay $0x2  }
0xbe: {  	s31 =	sshll.u32 s1, $0xD;
	s1 =	sshrl.u32 s1, $0x2  }
0xbf: {  	s3 =	sand.u32 $0x4000, s31;
	s1 =	sadd.s32 s1, s30  }
0xc0: {  	s0 =	sor.u32 s3, s0;
	s1 =	sshll.u32 s1, $0x11  }
0xc1: {  	s0 =	sor.u32 s1, s0  }
0xc2: {  	s0 =	sadd.s32 $0x8F2B, s0  }
0xc3: {  	[sflag:s0] =	ssyncadd.remote.s32 $0x1  }
0xc4: {  	_ =	sfence.sel $0xFFFF  }
0xc5: {  	[dreg:$0x0] =	wrdreg $0xFFFFFFFF;
	(pc) =	sbr.abs _section_cstart, $3  }
0xc6: {  	[dreg:$0x1] =	wrdreg $0xFFFFFFFF  }
0xc7: {  	_ =	task.clear_ibuf [dreg:s7], $0x2FFFF;
	_ =	strace $0x9FFFFFFF  }
0xc8: {  	(tm) =	ssettm $0x7FFFFFFF  }
0xc9: {  	_ =	shalt  }
tec
execute0_lowered:
.L_overlay_start_1:
0x0: {  	(tag) =	ssettag $0x1  }
0x1: {  	s2 =	rddreg [dreg:$0x0];
	s0 =	srdreg.scid  }
0x2: {  	s5 =	rddreg [dreg:$0x1];
	s1 =	stileid.u32;
	s6 =	simm.s32 $0x1  }
0x3: {  	s9 =	simm.s32 $0x1;
	s10 =	simm.s32 $0x3;
	s3 =	sshll.u32 s0, $0x7  }
0x4: {  	s13 =	simm.s32 $0x0;
	s4 =	sshll.u32 s1, $0x8;
	s3 =	sand.u32 $0x80, s3  }
0x5: {  	s0 =	rddreg [dreg:$0x2];
	_ =	strace $0x8000004A;
	s3 =	sor.u32 s4, s3  }
0x6: {  	s12 =	simm.s32 $0x0;
	[sflag:s6] =	ssyncpa.u1 $0x0;
	s8 =	ssub.s32 $0x2000, s3  }
.Ltmp0:
0x7: {  	s4 =	sadd.s32 $0x288C00, s5;
	s7 =	sand.u32 $0xF80, s8;
	(pc) =	sbr.rel .LBB2_1-.Ltmp0, $4  }
0x8: {  	s5 =	sadd.s32 $0x289000, s5;
	s11 =	smov.u32 s3;
	p0 =	sne.s32 s7, $0x0  }
0x9: {  	s8 =	sshrl.u32 s8, $0xC;
	s7 =	simm.s32 $0x2;
	s9 =	simm.s32 @!p0 $0x0  }
0xa: {  	[sflag:s7] =	ssyncpa.u1 $0x0;
	p0 =	por $0x0, $0x0;
	s8 =	sadd.s32 s9, s8  }
0xb: {  	vm0 =	vmmov $0xffff;
	[sflag:s10] =	ssyncpa.u1 $0x0;
	s10 =	simm.s32 $0x0;
	s9 =	sadd.s32 $0x1, s8  }
.LBB2_4:
0xc: {  	vm1 =	veq.s32 v0, $0x80000000;
	v63 =	vand.u32 $0xFF, v0;
	v2 =	vand.u32 $0x3F, v2  }
0xd: {  	v0 =	vsel vm1, $0xFFFFFFFF, v63;
	v2 =	vsel vm1, $0xFFFFFFFF, v2  }
0xe: {  	v3 =	vshll.u32 v2, $0x8;
	v4 =	vshll.u32 v0, $0x3  }
0xf: {  	v2 =	vshll.u32 v2, $0x7;
	v3 =	vand.u32 $0xFFFFF800, v3;
	v4 =	vand.u32 $0xFFFFFC00, v4  }
0x10: {  	v2 =	vand.u32 $0x380, v2;
	v3 =	vadd.s32 v4, v3  }
0x11: {  	v0 =	vand.u32 $0x7F, v0;
	v2 =	vor.u32 v2, v3  }
0x12: {  	v0 =	vor.u32 v0, v2;
	_ =	sdelay $0x1  }
0x13: {  	(ifvalue) =	ssetifvalue $0x7FFFFFFF;
	s14 =	sadd.s32 $0x10, s14  }
0x14: {  	[tilespmem:s14], [sflag:$0x1] =	stream.indirect_vreg.gather [hbm4b:s2+s10], $0x1, v1, vm0, $0x4038;
	[tilespmem:$0x200] =	vst v63  }
0x15: {  	(ifvalue) =	ssetifvalue $0x7FFFFFFF;
	s14 =	sadd.s32 $0x10, s14  }
0x16: {  	[tilespmem:s14], [sflag:$0x1] =	stream.indirect_vreg.gather [hbm4b:s2+s10], $0x1, v0, vm0, $0x4038;
	[tilespmem:$0x200] =	vst v63  }
0x17: {  	_ =	swait.ge [sflag:s6], $0x80  }
0x18: {  	s30 =	sshrl.u32 s13, $0x3;
	[sflag:s6] =	ssyncset.done $0x0  }
0x19: {  	s31 =	sand.u32 $0x7, s13;
	s14 =	sadd.s32 s5, s30;
	[sflag:s6] =	ssyncadd.s32 $0xFFFFFF80  }
0x1a: {  	[hbm4b:s14+s31] =	stream.linear.scatter [tilespmem:s15], [sflag:$0x3], $0x80, $0x38;
	[tilespmem:$0x200] =	vst v63  }
.LBB2_5:
0x1b: {  	s15 =	sadd.s32 $0x1000, s11  }
0x1c: {  	p2 =	sgt.s32 s15, $0x1FFF  }
0x1d: {  	s15 =	smov.u32 @p2 s3;
	p2 =	sne.s32 s12, s9  }
.Ltmp1:
0x1e: {  	p1 =	slt.u32 s12, $0x2;
	(pc) =	sbr.rel @!p2 .LBB2_6-.Ltmp1, $4  }
0x1f: {  	s14 =	simm.s32 @!p1 $0x3  }
0x20: {  	s16 =	sadd.s32 $0x1, s12;
	_ =	swait.ge @!p1 [sflag:s14], $0x80  }
0x21: {  	s13 =	smov.u32 s11;
	p0 =	por !p0, !p0;
	[sflag:s14] =	ssyncset.done @!p1 $0x0  }
0x22: {  	s12 =	smov.u32 s16;
	s11 =	smov.u32 s15;
	[sflag:s14] =	ssyncadd.s32 @!p1 $0xFFFFFF80  }
.LBB2_1:
0x23: {  	p1 =	sge.u32 s12, s8  }
0x24: {  	s14 =	sxor.u32 @!p1 $0xFFFFFFFF, s12  }
0x25: {  	s31 =	sadd.s32 $0xFFFFFFFF, s12;
	s15 =	sshrl.u32 @!p1 s11, $0x3;
	s14 =	sshll.u32 @!p1 s14, $0x7  }
0x26: {  	s16 =	sand.u32 @!p1 $0x7, s11;
	s15 =	sadd.s32 @!p1 s4, s15;
	s14 =	sand.u32 @!p1 $0x80, s14  }
0x27: {  	[tilespmem:s14], [sflag:$0x2] =	stream.linear.gather @!p1 [hbm4b:s15+s16], $0x80, $0x38;
	[tilespmem:$0x200] =	vst v63  }
0x28: {  	p1 =	sge.u32 s31, s8  }
.Ltmp2:
0x29: {  	_ = 	snop;
	(pc) =	sbr.rel @p1 .LBB2_5-.Ltmp2, $1  }
0x2a: {  	_ =	sdelay $0x3  }
0x2b: {  	s14 =	simm.s32 $0x1  }
0x2c: {  	_ =	swait.ge [sflag:s7], $0x80;
	s14 =	simm.s32 @!p0 $0x0  }
0x2d: {  	[sflag:s7] =	ssyncset.done $0x0;
	s14 =	sshll.u32 s14, $0x7  }
0x2e: {  	[sflag:s7] =	ssyncadd.s32 $0xFFFFFF80;
	(ifvalue) =	ssetifvalue $0x7FFFFFFF;
	v0 =	vld.msk [tilespmem:s14+$0x0 ss:$0x1], $0xffff;
	_ =	sdelay $0x4  }
0x2f: {  	s15 =	sadd.s32 $0x10, s14;
	v1 =	vshrl.u32 v0, $0x8  }
0x30: {  	v2 =	vld.msk [tilespmem:s15+$0x0 ss:$0x1], $0xffff;
	vm1 =	veq.s32 v0, $0x80000000;
	v0 =	vand.u32 $0xFF, v0;
	v1 =	vand.u32 $0x3F, v1  }
0x31: {  	v0 =	vsel vm1, $0xFFFFFFFF, v0;
	v1 =	vsel vm1, $0xFFFFFFFF, v1  }
0x32: {  	v4 =	vshll.u32 v0, $0x3;
	v3 =	vshll.u32 v1, $0x8  }
0x33: {  	v4 =	vand.u32 $0xFFFFFC00, v4;
	v1 =	vshll.u32 v1, $0x7;
	v3 =	vand.u32 $0xFFFFF800, v3  }
0x34: {  	v0 =	vand.u32 $0x7F, v0;
	v1 =	vand.u32 $0x380, v1;
	v3 =	vadd.s32 v4, v3  }
0x35: {  	vm1 =	veq.s32 v2, $0x80000000;
	v1 =	vor.u32 v1, v3;
	v3 =	vshrl.u32 v2, $0x8  }
0x36: {  	s17 =	sadd.s32 $0x10, s15;
	v2 =	vand.u32 $0xFF, v2;
	v1 =	vor.u32 v0, v1;
	v3 =	vand.u32 $0x3F, v3  }
0x37: {  	v0 =	vld.msk [tilespmem:s17+$0x0 ss:$0x1], $0xffff;
	v2 =	vsel vm1, $0xFFFFFFFF, v2;
	v3 =	vsel vm1, $0xFFFFFFFF, v3  }
0x38: {  	v5 =	vshll.u32 v2, $0x3;
	v63 =	vshll.u32 v3, $0x8  }
0x39: {  	s31 =	sshll.u32 s12, $0x7;
	v5 =	vand.u32 $0xFFFFFC00, v5;
	v3 =	vshll.u32 v3, $0x7;
	v4 =	vand.u32 $0xFFFFF800, v63  }
0x3a: {  	s14 =	sor.u32 $0x100, s14;
	s15 =	sand.u32 $0x80, s31;
	(ifvalue) =	ssetifvalue $0x7FFFFFFF;
	v3 =	vand.u32 $0x380, v3;
	v4 =	vadd.s32 v5, v4  }
0x3b: {  	[tilespmem:s14], [sflag:$0x1] =	stream.indirect_vreg.gather [hbm4b:s2+s10], $0x1, v1, vm0, $0x4038;
	v1 =	vand.u32 $0x7F, v2;
	v3 =	vor.u32 v3, v4;
	[tilespmem:$0x200] =	vst v63  }
0x3c: {  	s16 =	simm.s32 $0x20;
	s15 =	sor.u32 $0x100, s15;
	s17 =	sadd.s32 $0x10, s17;
	v2 =	vshrl.u32 v0, $0x8;
	v1 =	vor.u32 v1, v3  }
.LBB2_3:
0x3d: {  	s16 =	sadd.s32 $0x10, s16;
	vm1 =	veq.s32 v0, $0x80000000;
	v3 =	vand.u32 $0xFF, v0;
	v0 =	vld.msk [tilespmem:s17+$0x0 ss:$0x1], $0xffff;
	v2 =	vand.u32 $0x3F, v2  }
0x3e: {  	p1 =	slt.u32 s16, $0x70;
	v3 =	vsel vm1, $0xFFFFFFFF, v3;
	v2 =	vsel vm1, $0xFFFFFFFF, v2  }
.Ltmp3:
0x3f: {  	v4 =	vshll.u32 v2, $0x8;
	v5 =	vshll.u32 v3, $0x3;
	(pc) =	sbr.rel @p1 .LBB2_3-.Ltmp3, $4  }
0x40: {  	s14 =	sadd.s32 $0x10, s14;
	v2 =	vshll.u32 v2, $0x7;
	v4 =	vand.u32 $0xFFFFF800, v4;
	v5 =	vand.u32 $0xFFFFFC00, v5;
	(ifvalue) =	ssetifvalue $0x7FFFFFFF  }
0x41: {  	v2 =	vand.u32 $0x380, v2;
	v4 =	vadd.s32 v5, v4;
	[tilespmem:s14], [sflag:$0x1] =	stream.indirect_vreg.gather [hbm4b:s2+s10], $0x1, v1, vm0, $0x4038;
	[tilespmem:$0x200] =	vst v63  }
0x42: {  	v1 =	vand.u32 $0x7F, v3;
	v3 =	vor.u32 v2, v4  }
0x43: {  	s17 =	sadd.s32 $0x10, s17;
	v2 =	vshrl.u32 v0, $0x8;
	v1 =	vor.u32 v1, v3  }
.Ltmp4:
0x44: {  	_ = 	snop;
	(pc) =	sbr.rel .LBB2_4-.Ltmp4, $1  }
0x45: {  	_ =	sdelay $0x3  }
.LBB2_6:
0x46: {  	_ =	sfence.sel $0x180000  }
0x47: {  	s2 =	simm.s32 $0x2;
	[bflag:$0x0] =	sbarrier.arrive $0xFFFF  }
0x48: {  	s30 =	simm.s32 $0x3;
	[sflag:s2] =	ssyncpa.u1 $0x1  }
0x49: {  	s31 =	simm.s32 $0x1;
	[sflag:s30] =	ssyncpa.u1 $0x1  }
0x4a: {  	[sflag:s31] =	ssyncpa.u1 $0x1  }
0x4b: {  	p0 =	sne.s32 s1, $0x0;
	_ =	strace $0x9000004A  }
0x4c: {  	s0 =	sadd.s32 @!p0 $0x100000, s0;
	[bflag:$0x2] =	sbarrier.arrive $0xFFFF  }
0x4d: {  	[sflag:s0] =	ssyncadd.tile.s32 @!p0 $0x1;
	_ =	shalt  }
.Lfunc_end2:
_tile_overlayer_lowered:
.L_overlay_start_2:
0x4e: {  	(tag) =	ssettag $0x2  }
0x4f: {  	s0 =	rddreg [dreg:$0x0];
	s2 =	stileid.u32  }
0x50: {  	s1 =	rddreg [dreg:$0x1];
	p0 =	sne.s32 s2, $0x0  }
0x51: {  	s3 =	rddreg [dreg:$0x2];
	[bflag:$0x3] =	sbarrier.arrive $0xFFFF;
	s2 =	simm.s32 @!p0 $0x1C01  }
0x52: {  	[timem:s3], [sflag:s2] =	dma.local @!p0 [hbm:s0], s1  }
0x53: {  	s0 =	simm.s32 @!p0 $0x1  }
0x54: {  	_ =	swait.ge @!p0 [sflag:s0], s1  }
0x55: {  	s1 =	ssub.s32 @!p0 $0x0, s1;
	[sflag:s0] =	ssyncset.done @!p0 $0x0  }
0x56: {  	[sflag:s0] =	ssyncadd.s32 @!p0 s1  }
0x57: {  	[bflag:$0x3] =	sbarrier.arrive $0xFFFF  }
0x58: {  	_ =	shalt  }

// kernel: gather_offload_async_start.2
scs
__scs_entry_jumppad:
0x0: {  	(pc) =	sbr.rel $0x88, $3  }
0x1: {  	(tag) =	ssettag $0x0;
	lr =	simm.s32 $0x1  }
0x2: {  	[smem:$0x3F69] =	sst lr;
	_ =	strace $0xD0000000  }
0x3: {  	_ = 	snop  }
0x4: {  	_ = 	snop  }
0x5: {  	_ = 	snop  }
0x6: {  	_ = 	snop  }
0x7: {  	_ = 	snop  }
__scs_overlays_trampoline_lowered:
0x8: {  	[smem:$0x3F78] =	sst s0  }
0x9: {  	[smem:$0x3F79] =	sst s1  }
0xa: {  	[smem:$0x3F7A] =	sst s2  }
0xb: {  	[smem:$0x3F7B] =	sst s3  }
0xc: {  	[smem:$0x3F7C] =	sst s4  }
0xd: {  	[smem:$0x3F7D] =	sst s5  }
0xe: {  	[smem:$0x3F7E] =	sst s6  }
0xf: {  	[smem:$0x3F7F] =	sst s7  }
0x10: {  	[smem:$0x3F80] =	sst s8  }
0x11: {  	[smem:$0x3F81] =	sst s9;
	s0 =	simm.s32 @!p0 $0x0  }
0x12: {  	s1 =	sld [smem:$0x3F67];
	s0 =	simm.s32 @p0 $0x1  }
0x13: {  	[smem:$0x3F82] =	sst s0;
	s0 =	simm.s32 @!p1 $0x0  }
0x14: {  	s2 =	sld [smem:$0x3F66];
	s0 =	simm.s32 @p1 $0x1  }
0x15: {  	[smem:$0x3F83] =	sst s0;
	s0 =	simm.s32 @!p2 $0x0  }
0x16: {  	s3 =	sld [smem:$0x3FDB];
	s0 =	simm.s32 @p2 $0x1  }
0x17: {  	s4 =	simm.s32 $0x1BF5;
	[smem:$0x3F85] =	sst s0  }
0x18: {  	s0 =	sld [smem:$0x3F68];
	_ =	swait.ge [sflag:s4], $0x0  }
0x19: {  	s7 =	sld [smem:$0x3F69]  }
0x1a: {  	s8 =	sadd.s32 $0xFFFFE003, lr  }
0x1b: {  	s9 =	sadd.s32 $0xFFFFFEF7, lr;
	s5 =	simm.s32 $0xFFFFFFFF;
	p2 =	slt.u32 s8, $0xFFFFF086  }
0x1c: {  	p1 =	slt.u32 s9, $0xF7A;
	s5 =	simm.s32 @!p2 $0x0  }
0x1d: {  	s5 =	simm.s32 @p1 $0x1;
	p0 =	seq.s32 s7, s2  }
0x1e: {  	s7 =	smul.u32 @!p0 $0xF7A, s2;
	p2 =	seq.s32 @!p0 s5, $0x0  }
0x1f: {  	s9 =	smul.u32 $0xF7A, s1;
	s8 =	simm.s32 @!p0 $0x1BF5;
	p2 =	por !p2, p0  }
0x20: {  	[sflag:s8] =	ssyncset.s32 @!p0 $0xFFFFF086;
	s6 =	sadd.s32 @!p0 s3, s7;
	s7 =	simm.s32 @!p0 $0x108  }
0x21: {  	s3 =	sadd.s32 s3, s9;
	s6 =	sadd.s32 @!p0 $0x88, s6;
	s7 =	simm.s32 @p2 $0x1082  }
0x22: {  	[simem:s7], [sflag:s8] =	dma.local @!p0 [hbm:s6], $0xF7A  }
0x23: {  	s9 =	sor.u32 $0xD0000000, s2;
	s6 =	simm.s32 $0x108;
	_ =	swait.ge @!p0 [sflag:s8], $0x0  }
0x24: {  	s3 =	sadd.s32 $0x88, s3;
	s6 =	simm.s32 @!p1 $0x1082;
	[sflag:s4] =	ssyncset.s32 $0xFFFFF086  }
0x25: {  	[simem:s6], [sflag:s4] =	dma.local [hbm:s3], $0xF7A  }
0x26: {  	[smem:$0x3F69] =	sst s1;
	(tag) =	ssettag s2;
	_ =	strace s9  }
0x27: {  	s1 =	sld [smem:$0x3F79]  }
0x28: {  	s2 =	sld [smem:$0x3F7A]  }
0x29: {  	s4 =	sld [smem:$0x3F7C]  }
0x2a: {  	p0 =	seq.s32 s5, $0x0;
	s5 =	sld [smem:$0x3F7D]  }
0x2b: {  	s6 =	sld [smem:$0x3F7E]  }
0x2c: {  	s7 =	sld [smem:$0x3F7F]  }
0x2d: {  	s3 =	simm.s32 $0x108;
	s8 =	sld [smem:$0x3F80]  }
0x2e: {  	s3 =	simm.s32 @!p0 $0x1082;
	s9 =	sld [smem:$0x3F81]  }
0x2f: {  	lr =	sadd.s32 s0, s3;
	s0 =	sld [smem:$0x3F78]  }
0x30: {  	s3 =	sld [smem:$0x3F7B]  }
0x31: {  	[smem:$0x3F84] =	sst s10  }
0x32: {  	s10 =	sld [smem:$0x3F82];
	_ =	sdelay $0x3  }
0x33: {  	p0 =	seq.s32 s10, $0x1;
	s10 =	sld [smem:$0x3F84];
	_ =	sdelay $0x3  }
0x34: {  	[smem:$0x3F84] =	sst s10  }
0x35: {  	s10 =	sld [smem:$0x3F83];
	_ =	sdelay $0x3  }
0x36: {  	p1 =	seq.s32 s10, $0x1;
	s10 =	sld [smem:$0x3F84];
	_ =	sdelay $0x3  }
0x37: {  	[smem:$0x3F84] =	sst s10  }
0x38: {  	s10 =	sld [smem:$0x3F85]  }
0x39: {  	_ = 	snop;
	(pc) =	sbr.ind lr, $3  }
0x3a: {  	_ = 	snop  }
0x3b: {  	_ = 	snop  }
0x3c: {  	p2 =	seq.s32 s10, $0x1;
	s10 =	sld [smem:$0x3F84]  }
0x3d: {  	_ =	shalt  }
0x3e: {  	_ =	shalt  }
0x3f: {  	_ =	shalt  }
0x40: {  	_ =	shalt  }
0x41: {  	_ =	shalt  }
0x42: {  	_ =	shalt  }
0x43: {  	_ =	shalt  }
0x44: {  	_ =	shalt  }
0x45: {  	_ =	shalt  }
0x46: {  	_ =	shalt  }
0x47: {  	_ =	shalt  }
0x48: {  	_ =	shalt  }
0x49: {  	_ =	shalt  }
0x4a: {  	_ =	shalt  }
0x4b: {  	_ =	shalt  }
0x4c: {  	_ =	shalt  }
0x4d: {  	_ =	shalt  }
0x4e: {  	_ =	shalt  }
0x4f: {  	_ =	shalt  }
0x50: {  	_ =	shalt  }
0x51: {  	_ =	shalt  }
0x52: {  	_ =	shalt  }
0x53: {  	_ =	shalt  }
0x54: {  	_ =	shalt  }
0x55: {  	_ =	shalt  }
0x56: {  	_ =	shalt  }
0x57: {  	_ =	shalt  }
0x58: {  	_ =	shalt  }
0x59: {  	_ =	shalt  }
0x5a: {  	_ =	shalt  }
0x5b: {  	_ =	shalt  }
0x5c: {  	_ =	shalt  }
0x5d: {  	_ =	shalt  }
0x5e: {  	_ =	shalt  }
0x5f: {  	_ =	shalt  }
0x60: {  	_ =	shalt  }
0x61: {  	_ =	shalt  }
0x62: {  	_ =	shalt  }
0x63: {  	_ =	shalt  }
0x64: {  	_ =	shalt  }
0x65: {  	_ =	shalt  }
0x66: {  	_ =	shalt  }
0x67: {  	_ =	shalt  }
0x68: {  	_ =	shalt  }
0x69: {  	_ =	shalt  }
0x6a: {  	_ =	shalt  }
0x6b: {  	_ =	shalt  }
0x6c: {  	_ =	shalt  }
0x6d: {  	_ =	shalt  }
0x6e: {  	_ =	shalt  }
0x6f: {  	_ =	shalt  }
0x70: {  	_ =	shalt  }
0x71: {  	_ =	shalt  }
0x72: {  	_ =	shalt  }
0x73: {  	_ =	shalt  }
0x74: {  	_ =	shalt  }
0x75: {  	_ =	shalt  }
0x76: {  	_ =	shalt  }
0x77: {  	_ =	shalt  }
0x78: {  	_ =	shalt  }
0x79: {  	_ =	shalt  }
0x7a: {  	_ =	shalt  }
0x7b: {  	_ =	shalt  }
0x7c: {  	_ =	shalt  }
0x7d: {  	_ =	shalt  }
0x7e: {  	_ =	shalt  }
0x7f: {  	_ =	shalt  }
0x80: {  	_ =	shalt  }
0x81: {  	_ =	shalt  }
0x82: {  	_ =	shalt  }
0x83: {  	_ =	shalt  }
0x84: {  	_ =	shalt  }
0x85: {  	_ =	shalt  }
0x86: {  	_ =	shalt  }
0x87: {  	_ =	shalt  }
.Lfunc_end0:
.L_simem_size_0:
called_computation.2_lowered:
.L_overlay_start_0:
0x88: {  	s2 =	sld [smem:$0x3FD9]  }
0x89: {  	s3 =	sld [smem:$0x3FFE];
	_ =	sdelay $0x1  }
0x8a: {  	s1 =	srdreg.scid  }
0x8b: {  	s0 =	sand.u32 $0x1, s1  }
0x8c: {  	s15 =	sshll.u32 s0, $0xA;
	s2 =	sadd.s32 s3, s2  }
0x8d: {  	s2 =	sadd.s32 s2, s15  }
0x8e: {  	[smem:$0x3F90] =	sst s2  }
0x8f: {  	_ = 	snop  }
0x90: {  	s2 =	sld [smem:$0x3FD0];
	_ =	sdelay $0x2  }
0x91: {  	s16 =	simm.s32 $0xB;
	s4 =	simm.s32 $0x10  }
0x92: {  	[smem:s4], [sflag:s16] =	dma.local [hbm:s2], $0x1  }
0x93: {  	_ =	swait.eq [sflag:s16], $0x1  }
0x94: {  	[sflag:s16] =	ssyncset.done $0x0  }
0x95: {  	[sflag:s16] =	ssyncadd.s32 $0xFFFFFFFF  }
0x96: {  	s17 =	sld [smem:$0x10];
	(tm) =	ssettm $0x1  }
0x97: {  	s18 =	sld [smem:$0x3FFB];
	_ =	sdelay $0x3  }
0x98: {  	_ =	strace s18  }
0x99: {  	s2 =	sld [smem:$0x3FFC];
	_ =	sdelay $0x3  }
0x9a: {  	_ =	strace s2  }
0x9b: {  	s2 =	sld [smem:$0x3FFD];
	_ =	sdelay $0x3  }
0x9c: {  	_ =	strace s2  }
0x9d: {  	_ =	strace $0x8FFFFFFF  }
0x9e: {  	s19 =	sld [smem:$0x3FDB];
	_ =	sdelay $0x1  }
0x9f: {  	s20 =	simm.s32 $_scs_section_size  }
0xa0: {  	s5 =	simm.s32 $_size__tile_overlayer_lowered;
	s6 =	simm.s32 $_tile_overlayer_lowered  }
0xa1: {  	s7 =	simm.s32 $0x1BFF;
	s21 =	sshll.u32 s6, $0x1;
	s4 =	sadd.s32 s20, s19  }
0xa2: {  	s22 =	simm.s32 $0x0;
	s5 =	sshll.u32 s5, $0x1;
	s6 =	sadd.s32 s21, s4  }
0xa3: {  	[timem:s22], [sflag:s7] =	dma.local [hbm:s6], s5  }
0xa4: {  	_ =	swait.ge [sflag:s7], s5  }
0xa5: {  	s5 =	ssub.s32 $0x0, s5;
	[sflag:s7] =	ssyncset.done $0x0  }
0xa6: {  	[sflag:s7] =	ssyncadd.s32 s5;
	_ =	sdelay $0x1  }
0xa7: {  	s23 =	simm.s32 $0x1B8B  }
0xa8: {  	_ =	swait.ge [sflag:s23], $0x1  }
0xa9: {  	[sflag:s23] =	ssyncset.done $0x0  }
0xaa: {  	[sflag:s23] =	ssyncadd.s32 $0xFFFFFFFF  }
0xab: {  	s5 =	sld [smem:$0x0]  }
0xac: {  	s6 =	sand.u32 $0xFFFFFFFE, s1  }
0xad: {  	p0 =	sne.s32 s1, s6  }
0xae: {  	s6 =	sshll.u32 @p0 s6, $0xE  }
0xaf: {  	s6 =	sadd.s32 @p0 $0x11B8D, s6;
	s7 =	sshll.u32 @p0 s5, $0x11  }
0xb0: {  	s6 =	sor.u32 @p0 s7, s6  }
0xb1: {  	[sflag:s6] =	ssyncadd.remote.s32 @p0 $0x1;
	_ =	sdelay $0x1  }
0xb2: {  	s6 =	simm.s32 @p0 $0x1B8D  }
0xb3: {  	_ =	swait.eq @p0 [sflag:s6], $0x1  }
0xb4: {  	[sflag:s6] =	ssyncadd.s32 @p0 $0xFFFFFFFF  }
0xb5: {  	s7 =	sshll.u32 @!p0 s1, $0xE  }
0xb6: {  	s7 =	sor.u32 @!p0 $0x4000, s7;
	s6 =	simm.s32 @!p0 $0x1B8D  }
0xb7: {  	s5 =	sshll.u32 @!p0 s5, $0x11;
	s7 =	sadd.s32 @!p0 $0x11B8D, s7;
	_ =	swait.eq @!p0 [sflag:s6], $0x1  }
0xb8: {  	s5 =	sor.u32 @!p0 s5, s7;
	[sflag:s6] =	ssyncadd.s32 @!p0 $0xFFFFFFFF  }
0xb9: {  	s25 =	simm.s32 $0x1B8E;
	s24 =	sld [smem:$0x3FFE];
	[sflag:s5] =	ssyncadd.remote.s32 @!p0 $0x1  }
0xba: {  	s26 =	simm.s32 $execute0_lowered;
	[smem:$0x3FD2] =	sst s25  }
0xbb: {  	s6 =	sshll.u32 s26, $0x1;
	_ =	strace $0x8000004C;
	[dreg:$0x1] =	wrdreg $0xFFFFFFFF  }
0xbc: {  	s28 =	simm.s32 $_size_execute0_lowered;
	s4 =	sadd.s32 s4, s6;
	[dreg:$0x0] =	wrdreg $0x0  }
0xbd: {  	s6 =	sshll.u32 s28, $0x1;
	[dreg:$0x2] =	wrdreg s4  }
0xbe: {  	[dreg:$0x3] =	wrdreg s6  }
0xbf: {  	[dreg:$0x4] =	wrdreg $0xC0  }
0xc0: {  	_ =	task [dreg:s22], $0x5FFFF  }
0xc1: {  	[dreg:$0x1] =	wrdreg $0xFFFFFFFF  }
0xc2: {  	[dreg:$0x0] =	wrdreg $0x60  }
0xc3: {  	[dreg:$0x2] =	wrdreg s24  }
0xc4: {  	[dreg:$0x3] =	wrdreg s17  }
0xc5: {  	[dreg:$0x4] =	wrdreg $0xA  }
0xc6: {  	_ =	task.clear_ibuf [dreg:s22], $0x5FFFF;
	_ =	strace $0x9000004C  }
0xc7: {  	s29 =	simm.s32 $0xA;
	_ =	strace $0x8000004E  }
0xc8: {  	_ =	swait.ge [sflag:s29], $0x1  }
0xc9: {  	[sflag:s29] =	ssyncadd.s32 $0xFFFFFFFF  }
0xca: {  	_ =	strace $0x9000004E  }
0xcb: {  	_ =	sfence  }
0xcc: {  	s30 =	sld [smem:$0x0];
	_ =	sdelay $0x2  }
0xcd: {  	s31 =	sshll.u32 s1, $0xD;
	s1 =	sshrl.u32 s1, $0x2  }
0xce: {  	s4 =	sand.u32 $0x4000, s31;
	s1 =	sadd.s32 s1, s30  }
0xcf: {  	s0 =	sor.u32 s4, s0;
	s1 =	sshll.u32 s1, $0x11  }
0xd0: {  	s0 =	sor.u32 s1, s0  }
0xd1: {  	s0 =	sadd.s32 $0x8F2B, s0  }
0xd2: {  	[sflag:s0] =	ssyncadd.remote.s32 $0x1  }
0xd3: {  	_ =	sfence.sel $0xFFFF  }
0xd4: {  	[dreg:$0x0] =	wrdreg $0xFFFFFFFF;
	(pc) =	sbr.abs _section_cstart, $3  }
0xd5: {  	[dreg:$0x1] =	wrdreg $0xFFFFFFFF  }
0xd6: {  	_ =	task.clear_ibuf [dreg:s22], $0x2FFFF;
	_ =	strace $0x9FFFFFFF  }
0xd7: {  	(tm) =	ssettm $0x7FFFFFFF  }
tec
execute0_lowered:
.L_overlay_start_1:
0x0: {  	(tag) =	ssettag $0x1  }
0x1: {  	s7 =	rddreg [dreg:$0x0]  }
0x2: {  	s2 =	rddreg [dreg:$0x1]  }
0x3: {  	s0 =	rddreg [dreg:$0x2]  }
0x4: {  	s1 =	srdreg.scid;
	_ =	strace $0x8000004D;
	s4 =	simm.s32 $0x1  }
0x5: {  	s9 =	simm.s32 $0x3;
	s11 =	simm.s32 $0x0;
	s5 =	sshll.u32 s1, $0x4  }
.Ltmp0:
0x6: {  	s1 =	stileid.u32;
	s5 =	sand.u32 $0x10, s5;
	(pc) =	sbr.rel .LBB2_1-.Ltmp0, $4  }
0x7: {  	p0 =	por $0x0, $0x0;
	s3 =	sadd.s32 $0x289400, s7;
	s6 =	sor.u32 s1, s5  }
0x8: {  	[sflag:s4] =	ssyncpa.u1 $0x0;
	s5 =	simm.s32 $0x2;
	s6 =	sshll.u32 s6, $0x8  }
0x9: {  	s7 =	sadd.s32 $0x8800, s7;
	[sflag:s5] =	ssyncpa.u1 $0x0;
	s8 =	sadd.s32 $0x100, s6  }
0xa: {  	vm0 =	vmmov $0xff;
	vm1 =	vcmask $0x3F20;
	[sflag:s9] =	ssyncpa.u1 $0x0;
	s10 =	smov.u32 s6;
	s9 =	simm.s32 $0x0  }
.LBB2_9:
0xb: {  	p1 =	slt.u32 s9, $0x2;
	s11 =	sadd.s32 $0x80, s10  }
0xc: {  	s13 =	smov.u32 s6;
	s9 =	sadd.s32 $0x1, s9;
	p2 =	slt.s32 s11, s8  }
0xd: {  	s13 =	smov.u32 @p2 s11;
	p2 =	sne.s32 s9, $0x4  }
.Ltmp1:
0xe: {  	_ = 	snop;
	(pc) =	sbr.rel @!p2 .LBB2_10-.Ltmp1, $4  }
0xf: {  	s12 =	simm.s32 @!p1 $0x3  }
0x10: {  	_ =	swait.ge @!p1 [sflag:s12], $0xC000  }
0x11: {  	p0 =	por !p0, !p0;
	[sflag:s12] =	ssyncset.done @!p1 $0x0  }
0x12: {  	s11 =	smov.u32 s10;
	s10 =	smov.u32 s13;
	[sflag:s12] =	ssyncadd.s32 @!p1 $0xFFFF4000  }
.LBB2_1:
0x13: {  	p1 =	sgt.u32 s9, $0x1  }
0x14: {  	s12 =	sshll.u32 @!p1 s9, $0x7;
	s13 =	sshrl.u32 @!p1 s10, $0x3  }
0x15: {  	s14 =	sand.u32 @!p1 $0x7, s10;
	s12 =	sxor.u32 @!p1 $0x80, s12;
	s13 =	sadd.s32 @!p1 s7, s13  }
0x16: {  	[tilespmem:s12], [sflag:$0x2] =	stream.linear.gather @!p1 [hbm4b:s13+s14], $0x80, $0x38;
	[tilespmem:$0x18100] =	vst v63  }
0x17: {  	p1 =	seq.s32 s9, $0x0  }
0x18: {  	p2 =	seq.s32 @!p1 s9, $0x3  }
0x19: {  	p1 =	por p1, p2  }
.Ltmp2:
0x1a: {  	_ = 	snop;
	(pc) =	sbr.rel @p1 .LBB2_9-.Ltmp2, $1  }
0x1b: {  	_ =	sdelay $0x3  }
0x1c: {  	s12 =	simm.s32 $0x1  }
0x1d: {  	s12 =	simm.s32 @!p0 $0x0  }
0x1e: {  	s12 =	smul.u32 $0x30000, s12;
	_ =	sdelay $0x1  }
0x1f: {  	_ =	swait.ge [sflag:s5], $0x80;
	s13 =	sand.u32 $0x1, s9;
	s12 =	sshrl.u32 s12, $0x2  }
0x20: {  	s14 =	simm.s32 $0x0;
	[sflag:s5] =	ssyncset.done $0x0;
	s12 =	sor.u32 $0x100, s12  }
0x21: {  	s13 =	sshll.u32 s13, $0x7;
	[sflag:s5] =	ssyncadd.s32 $0xFFFFFF80;
	s15 =	smov.u32 s12  }
.LBB2_3:
0x22: {  	s16 =	sshll.u32 s14, $0x4  }
0x23: {  	s16 =	sand.u32 $0x3FFFFFF0, s16  }
0x24: {  	s16 =	sadd.s32 s16, s13  }
0x25: {  	v0 =	vld.msk [tilespmem:s16+$0x0 ss:$0x1], $0xffff;
	_ =	sdelay $0x4  }
0x26: {  	vm2 =	vgt.s32 v0, $0x0  }
0x27: {  	v0 =	vnsel vm2, $0x0, v0  }
0x28: {  	v0 =	vmin.u32 v0, $0x23FF  }
0x29: {  	v1 =	vshrl.u32 v0, $0x3  }
0x2a: {  	v0 =	vshll.u32 v0, $0x7;
	v1 =	vmul.u32 $0xC00, v1  }
0x2b: {  	v0 =	vand.u32 $0x380, v0  }
0x2c: {  	v0 =	vor.u32 v0, v1  }
0x2d: {  	v0 =	vshrl.u32 v0, $0x3;
	_ =	sdelay $0x3  }
0x2e: {  	s17 =	sadd.s32 $0x0, s15  }
0x2f: {  	[tilespmem:s17], [sflag:$0x1] =	stream.indirect_vreg.gather [hbm:s3], $0x80, v0, vm0, $0x38;
	[tilespmem:$0x18100] =	vst v63  }
0x30: {  	s16 =	simm.s32 $0x1000;
	v1 =	vadd.s32 $0x80, v0;
	s17 =	sadd.s32 $0xC00, s17  }
.LBB2_4:
0x31: {  	[tilespmem:s17], [sflag:$0x1] =	stream.indirect_vreg.gather [hbm:s3], $0x80, v0, vm1, $0x38;
	[tilespmem:$0x18100] =	vst v63  }
0x32: {  	v0 =	vmov v1;
	s17 =	smov.u32 s16;
	p1 =	sne.s32 s16, $0x2000  }
.Ltmp3:
0x33: {  	s16 =	sadd.s32 $0x1000, s16;
	(pc) =	sbr.rel @p1 .LBB2_4-.Ltmp3, $4  }
0x34: {  	s17 =	sshra.s32 s17, $0x2  }
0x35: {  	s17 =	sadd.s32 s17, s15  }
0x36: {  	[tilespmem:s17], [sflag:$0x1] =	stream.indirect_vreg.gather [hbm:s3], $0x80, v1, vm0, $0x38;
	[tilespmem:$0x18100] =	vst v63  }
0x37: {  	s17 =	sadd.s32 $0xC00, s17;
	v1 =	vadd.s32 $0x80, v1  }
0x38: {  	s14 =	sadd.s32 $0x1, s14  }
0x39: {  	p1 =	sne.s32 s14, $0x8  }
.Ltmp4:
0x3a: {  	_ = 	snop;
	(pc) =	sbr.rel @p1 .LBB2_3-.Ltmp4, $3  }
0x3b: {  	_ =	sdelay $0x1  }
0x3c: {  	[tilespmem:s17], [sflag:$0x1] =	stream.indirect_vreg.gather [hbm:s3], $0x80, v0, vm1, $0x38;
	[tilespmem:$0x18100] =	vst v63  }
0x3d: {  	s15 =	sadd.s32 $0x1800, s15  }
0x3e: {  	s13 =	sshrl.u32 s11, $0x3  }
0x3f: {  	s13 =	smul.u32 $0x180, s13  }
0x40: {  	s31 =	sshll.u32 s11, $0x4  }
0x41: {  	_ =	swait.ge [sflag:s4], $0xC000;
	s11 =	sand.u32 $0x70, s31;
	s13 =	sadd.s32 s13, s2  }
0x42: {  	s14 =	sadd.s32 $0xC00, s12;
	[sflag:s4] =	ssyncset.done $0x0;
	s11 =	sadd.s32 s11, s13  }
0x43: {  	[sflag:s4] =	ssyncadd.s32 $0xFFFF4000;
	s13 =	simm.s32 $0x180;
	s15 =	sadd.s32 $0x0, s11  }
.LBB2_7:
0x44: {  	[hbm:s15] =	stream.linear.scatter [tilespmem:s12], [sflag:$0x3], $0xC00, $0x38;
	[tilespmem:$0x18100] =	vst v63  }
0x45: {  	s15 =	smov.u32 s13;
	s12 =	smov.u32 s14;
	p1 =	sne.s32 s13, $0x1680  }
.Ltmp5:
0x46: {  	s13 =	sadd.s32 $0x180, s13;
	(pc) =	sbr.rel @p1 .LBB2_7-.Ltmp5, $2  }
0x47: {  	_ =	sdelay $0x2  }
0x48: {  	s14 =	sadd.s32 $0xC00, s14;
	s15 =	sadd.s32 s15, s11  }
.Ltmp6:
0x49: {  	(pc) =	sbr.rel .LBB2_9-.Ltmp6, $2  }
0x4a: {  	_ =	sdelay $0x2  }
0x4b: {  	[hbm:s15] =	stream.linear.scatter [tilespmem:s12], [sflag:$0x3], $0xC00, $0x38;
	[tilespmem:$0x18100] =	vst v63  }
.LBB2_10:
0x4c: {  	_ =	sfence.sel $0x180000  }
0x4d: {  	s2 =	simm.s32 $0x2;
	[bflag:$0x0] =	sbarrier.arrive $0xFFFF  }
0x4e: {  	s30 =	simm.s32 $0x3;
	[sflag:s2] =	ssyncpa.u1 $0x1  }
0x4f: {  	s31 =	simm.s32 $0x1;
	[sflag:s30] =	ssyncpa.u1 $0x1  }
0x50: {  	[sflag:s31] =	ssyncpa.u1 $0x1  }
0x51: {  	p0 =	sne.s32 s1, $0x0;
	_ =	strace $0x9000004D  }
0x52: {  	s0 =	sadd.s32 @!p0 $0x100000, s0;
	[bflag:$0x2] =	sbarrier.arrive $0xFFFF  }
0x53: {  	[sflag:s0] =	ssyncadd.tile.s32 @!p0 $0x1;
	_ =	shalt  }
.Lfunc_end2:
_tile_overlayer_lowered:
.L_overlay_start_2:
0x54: {  	(tag) =	ssettag $0x2  }
0x55: {  	s0 =	rddreg [dreg:$0x0];
	s2 =	stileid.u32  }
0x56: {  	s1 =	rddreg [dreg:$0x1];
	p0 =	sne.s32 s2, $0x0  }
0x57: {  	s3 =	rddreg [dreg:$0x2];
	[bflag:$0x3] =	sbarrier.arrive $0xFFFF;
	s2 =	simm.s32 @!p0 $0x1C01  }
0x58: {  	[timem:s3], [sflag:s2] =	dma.local @!p0 [hbm:s0], s1  }
0x59: {  	s0 =	simm.s32 @!p0 $0x1  }
0x5a: {  	_ =	swait.ge @!p0 [sflag:s0], s1  }
0x5b: {  	s1 =	ssub.s32 @!p0 $0x0, s1;
	[sflag:s0] =	ssyncset.done @!p0 $0x0  }
0x5c: {  	[sflag:s0] =	ssyncadd.s32 @!p0 s1  }
0x5d: {  	[bflag:$0x3] =	sbarrier.arrive $0xFFFF  }
0x5e: {  	_ =	shalt  }

// kernel: gather_offload_async_start.3
scs
__scs_entry_jumppad:
0x0: {  	(pc) =	sbr.rel $0x88, $3  }
0x1: {  	(tag) =	ssettag $0x0;
	lr =	simm.s32 $0x1  }
0x2: {  	[smem:$0x3F69] =	sst lr;
	_ =	strace $0xD0000000  }
0x3: {  	_ = 	snop  }
0x4: {  	_ = 	snop  }
0x5: {  	_ = 	snop  }
0x6: {  	_ = 	snop  }
0x7: {  	_ = 	snop  }
__scs_overlays_trampoline_lowered:
0x8: {  	[smem:$0x3F78] =	sst s0  }
0x9: {  	[smem:$0x3F79] =	sst s1  }
0xa: {  	[smem:$0x3F7A] =	sst s2  }
0xb: {  	[smem:$0x3F7B] =	sst s3  }
0xc: {  	[smem:$0x3F7C] =	sst s4  }
0xd: {  	[smem:$0x3F7D] =	sst s5  }
0xe: {  	[smem:$0x3F7E] =	sst s6  }
0xf: {  	[smem:$0x3F7F] =	sst s7  }
0x10: {  	[smem:$0x3F80] =	sst s8  }
0x11: {  	[smem:$0x3F81] =	sst s9;
	s0 =	simm.s32 @!p0 $0x0  }
0x12: {  	s1 =	sld [smem:$0x3F67];
	s0 =	simm.s32 @p0 $0x1  }
0x13: {  	[smem:$0x3F82] =	sst s0;
	s0 =	simm.s32 @!p1 $0x0  }
0x14: {  	s2 =	sld [smem:$0x3F66];
	s0 =	simm.s32 @p1 $0x1  }
0x15: {  	[smem:$0x3F83] =	sst s0;
	s0 =	simm.s32 @!p2 $0x0  }
0x16: {  	s3 =	sld [smem:$0x3FDB];
	s0 =	simm.s32 @p2 $0x1  }
0x17: {  	s4 =	simm.s32 $0x1BF5;
	[smem:$0x3F85] =	sst s0  }
0x18: {  	s0 =	sld [smem:$0x3F68];
	_ =	swait.ge [sflag:s4], $0x0  }
0x19: {  	s7 =	sld [smem:$0x3F69]  }
0x1a: {  	s8 =	sadd.s32 $0xFFFFE003, lr  }
0x1b: {  	s9 =	sadd.s32 $0xFFFFFEF7, lr;
	s5 =	simm.s32 $0xFFFFFFFF;
	p2 =	slt.u32 s8, $0xFFFFF086  }
0x1c: {  	p1 =	slt.u32 s9, $0xF7A;
	s5 =	simm.s32 @!p2 $0x0  }
0x1d: {  	s5 =	simm.s32 @p1 $0x1;
	p0 =	seq.s32 s7, s2  }
0x1e: {  	s7 =	smul.u32 @!p0 $0xF7A, s2;
	p2 =	seq.s32 @!p0 s5, $0x0  }
0x1f: {  	s9 =	smul.u32 $0xF7A, s1;
	s8 =	simm.s32 @!p0 $0x1BF5;
	p2 =	por !p2, p0  }
0x20: {  	[sflag:s8] =	ssyncset.s32 @!p0 $0xFFFFF086;
	s6 =	sadd.s32 @!p0 s3, s7;
	s7 =	simm.s32 @!p0 $0x108  }
0x21: {  	s3 =	sadd.s32 s3, s9;
	s6 =	sadd.s32 @!p0 $0x88, s6;
	s7 =	simm.s32 @p2 $0x1082  }
0x22: {  	[simem:s7], [sflag:s8] =	dma.local @!p0 [hbm:s6], $0xF7A  }
0x23: {  	s9 =	sor.u32 $0xD0000000, s2;
	s6 =	simm.s32 $0x108;
	_ =	swait.ge @!p0 [sflag:s8], $0x0  }
0x24: {  	s3 =	sadd.s32 $0x88, s3;
	s6 =	simm.s32 @!p1 $0x1082;
	[sflag:s4] =	ssyncset.s32 $0xFFFFF086  }
0x25: {  	[simem:s6], [sflag:s4] =	dma.local [hbm:s3], $0xF7A  }
0x26: {  	[smem:$0x3F69] =	sst s1;
	(tag) =	ssettag s2;
	_ =	strace s9  }
0x27: {  	s1 =	sld [smem:$0x3F79]  }
0x28: {  	s2 =	sld [smem:$0x3F7A]  }
0x29: {  	s4 =	sld [smem:$0x3F7C]  }
0x2a: {  	p0 =	seq.s32 s5, $0x0;
	s5 =	sld [smem:$0x3F7D]  }
0x2b: {  	s6 =	sld [smem:$0x3F7E]  }
0x2c: {  	s7 =	sld [smem:$0x3F7F]  }
0x2d: {  	s3 =	simm.s32 $0x108;
	s8 =	sld [smem:$0x3F80]  }
0x2e: {  	s3 =	simm.s32 @!p0 $0x1082;
	s9 =	sld [smem:$0x3F81]  }
0x2f: {  	lr =	sadd.s32 s0, s3;
	s0 =	sld [smem:$0x3F78]  }
0x30: {  	s3 =	sld [smem:$0x3F7B]  }
0x31: {  	[smem:$0x3F84] =	sst s10  }
0x32: {  	s10 =	sld [smem:$0x3F82];
	_ =	sdelay $0x3  }
0x33: {  	p0 =	seq.s32 s10, $0x1;
	s10 =	sld [smem:$0x3F84];
	_ =	sdelay $0x3  }
0x34: {  	[smem:$0x3F84] =	sst s10  }
0x35: {  	s10 =	sld [smem:$0x3F83];
	_ =	sdelay $0x3  }
0x36: {  	p1 =	seq.s32 s10, $0x1;
	s10 =	sld [smem:$0x3F84];
	_ =	sdelay $0x3  }
0x37: {  	[smem:$0x3F84] =	sst s10  }
0x38: {  	s10 =	sld [smem:$0x3F85]  }
0x39: {  	_ = 	snop;
	(pc) =	sbr.ind lr, $3  }
0x3a: {  	_ = 	snop  }
0x3b: {  	_ = 	snop  }
0x3c: {  	p2 =	seq.s32 s10, $0x1;
	s10 =	sld [smem:$0x3F84]  }
0x3d: {  	_ =	shalt  }
0x3e: {  	_ =	shalt  }
0x3f: {  	_ =	shalt  }
0x40: {  	_ =	shalt  }
0x41: {  	_ =	shalt  }
0x42: {  	_ =	shalt  }
0x43: {  	_ =	shalt  }
0x44: {  	_ =	shalt  }
0x45: {  	_ =	shalt  }
0x46: {  	_ =	shalt  }
0x47: {  	_ =	shalt  }
0x48: {  	_ =	shalt  }
0x49: {  	_ =	shalt  }
0x4a: {  	_ =	shalt  }
0x4b: {  	_ =	shalt  }
0x4c: {  	_ =	shalt  }
0x4d: {  	_ =	shalt  }
0x4e: {  	_ =	shalt  }
0x4f: {  	_ =	shalt  }
0x50: {  	_ =	shalt  }
0x51: {  	_ =	shalt  }
0x52: {  	_ =	shalt  }
0x53: {  	_ =	shalt  }
0x54: {  	_ =	shalt  }
0x55: {  	_ =	shalt  }
0x56: {  	_ =	shalt  }
0x57: {  	_ =	shalt  }
0x58: {  	_ =	shalt  }
0x59: {  	_ =	shalt  }
0x5a: {  	_ =	shalt  }
0x5b: {  	_ =	shalt  }
0x5c: {  	_ =	shalt  }
0x5d: {  	_ =	shalt  }
0x5e: {  	_ =	shalt  }
0x5f: {  	_ =	shalt  }
0x60: {  	_ =	shalt  }
0x61: {  	_ =	shalt  }
0x62: {  	_ =	shalt  }
0x63: {  	_ =	shalt  }
0x64: {  	_ =	shalt  }
0x65: {  	_ =	shalt  }
0x66: {  	_ =	shalt  }
0x67: {  	_ =	shalt  }
0x68: {  	_ =	shalt  }
0x69: {  	_ =	shalt  }
0x6a: {  	_ =	shalt  }
0x6b: {  	_ =	shalt  }
0x6c: {  	_ =	shalt  }
0x6d: {  	_ =	shalt  }
0x6e: {  	_ =	shalt  }
0x6f: {  	_ =	shalt  }
0x70: {  	_ =	shalt  }
0x71: {  	_ =	shalt  }
0x72: {  	_ =	shalt  }
0x73: {  	_ =	shalt  }
0x74: {  	_ =	shalt  }
0x75: {  	_ =	shalt  }
0x76: {  	_ =	shalt  }
0x77: {  	_ =	shalt  }
0x78: {  	_ =	shalt  }
0x79: {  	_ =	shalt  }
0x7a: {  	_ =	shalt  }
0x7b: {  	_ =	shalt  }
0x7c: {  	_ =	shalt  }
0x7d: {  	_ =	shalt  }
0x7e: {  	_ =	shalt  }
0x7f: {  	_ =	shalt  }
0x80: {  	_ =	shalt  }
0x81: {  	_ =	shalt  }
0x82: {  	_ =	shalt  }
0x83: {  	_ =	shalt  }
0x84: {  	_ =	shalt  }
0x85: {  	_ =	shalt  }
0x86: {  	_ =	shalt  }
0x87: {  	_ =	shalt  }
.Lfunc_end0:
.L_simem_size_0:
called_computation.3_lowered:
.L_overlay_start_0:
0x88: {  	s2 =	sld [smem:$0x3FD9]  }
0x89: {  	s3 =	sld [smem:$0x3FFE];
	_ =	sdelay $0x1  }
0x8a: {  	s1 =	srdreg.scid  }
0x8b: {  	s0 =	sand.u32 $0x1, s1  }
0x8c: {  	s14 =	sshll.u32 s0, $0xA;
	s2 =	sadd.s32 s3, s2  }
0x8d: {  	s2 =	sadd.s32 s2, s14  }
0x8e: {  	[smem:$0x3F90] =	sst s2  }
0x8f: {  	_ = 	snop  }
0x90: {  	s2 =	sld [smem:$0x3FD0];
	_ =	sdelay $0x2  }
0x91: {  	s15 =	simm.s32 $0xB;
	s4 =	simm.s32 $0x10  }
0x92: {  	[smem:s4], [sflag:s15] =	dma.local [hbm:s2], $0x1  }
0x93: {  	_ =	swait.eq [sflag:s15], $0x1  }
0x94: {  	[sflag:s15] =	ssyncset.done $0x0  }
0x95: {  	[sflag:s15] =	ssyncadd.s32 $0xFFFFFFFF  }
0x96: {  	s16 =	sld [smem:$0x12];
	(tm) =	ssettm $0x1  }
0x97: {  	s17 =	sld [smem:$0x3FFB];
	_ =	sdelay $0x3  }
0x98: {  	_ =	strace s17  }
0x99: {  	s3 =	sld [smem:$0x3FFC];
	_ =	sdelay $0x3  }
0x9a: {  	_ =	strace s3  }
0x9b: {  	s3 =	sld [smem:$0x3FFD];
	_ =	sdelay $0x3  }
0x9c: {  	_ =	strace s3  }
0x9d: {  	_ =	strace $0x8FFFFFFF  }
0x9e: {  	s18 =	sld [smem:$0x3FDB];
	_ =	sdelay $0x1  }
0x9f: {  	s19 =	simm.s32 $_scs_section_size  }
0xa0: {  	s5 =	simm.s32 $_size__tile_overlayer_lowered;
	s6 =	simm.s32 $_tile_overlayer_lowered  }
0xa1: {  	s22 =	simm.s32 $0x1BFF;
	s21 =	sshll.u32 s6, $0x1;
	s3 =	sadd.s32 s19, s18  }
0xa2: {  	s7 =	simm.s32 $0x0;
	s20 =	sshll.u32 s5, $0x1;
	s5 =	sadd.s32 s21, s3  }
0xa3: {  	[timem:s7], [sflag:s22] =	dma.local [hbm:s5], s20  }
0xa4: {  	_ =	swait.ge [sflag:s22], s20  }
0xa5: {  	s4 =	ssub.s32 $0x0, s20;
	[sflag:s22] =	ssyncset.done $0x0  }
0xa6: {  	[sflag:s22] =	ssyncadd.s32 s4;
	_ =	sdelay $0x1  }
0xa7: {  	s23 =	simm.s32 $0x1B8B  }
0xa8: {  	_ =	swait.ge [sflag:s23], $0x1  }
0xa9: {  	[sflag:s23] =	ssyncset.done $0x0  }
0xaa: {  	s25 =	simm.s32 $0x1B8E;
	s24 =	sld [smem:$0x3FFE];
	[sflag:s23] =	ssyncadd.s32 $0xFFFFFFFF  }
0xab: {  	s26 =	simm.s32 $execute0_lowered;
	[smem:$0x3FD2] =	sst s25  }
0xac: {  	s5 =	sshll.u32 s26, $0x1;
	_ =	strace $0x8000004F;
	[dreg:$0x1] =	wrdreg $0xFFFFFFFF  }
0xad: {  	s28 =	simm.s32 $_size_execute0_lowered;
	s3 =	sadd.s32 s3, s5;
	[dreg:$0x0] =	wrdreg $0x0  }
0xae: {  	s5 =	sshll.u32 s28, $0x1;
	[dreg:$0x2] =	wrdreg s3  }
0xaf: {  	[dreg:$0x3] =	wrdreg s5  }
0xb0: {  	[dreg:$0x4] =	wrdreg $0xC0  }
0xb1: {  	_ =	task [dreg:s7], $0x5FFFF  }
0xb2: {  	[dreg:$0x1] =	wrdreg $0xFFFFFFFF  }
0xb3: {  	[dreg:$0x0] =	wrdreg $0x60  }
0xb4: {  	[dreg:$0x2] =	wrdreg s24  }
0xb5: {  	[dreg:$0x3] =	wrdreg s16  }
0xb6: {  	[dreg:$0x4] =	wrdreg $0x9  }
0xb7: {  	_ =	task.clear_ibuf [dreg:s7], $0x5FFFF;
	_ =	strace $0x9000004F  }
0xb8: {  	s29 =	simm.s32 $0x9;
	_ =	strace $0x80000051  }
0xb9: {  	_ =	swait.ge [sflag:s29], $0x1  }
0xba: {  	[sflag:s29] =	ssyncadd.s32 $0xFFFFFFFF  }
0xbb: {  	_ =	strace $0x90000051  }
0xbc: {  	_ =	sfence  }
0xbd: {  	s30 =	sld [smem:$0x0];
	_ =	sdelay $0x2  }
0xbe: {  	s31 =	sshll.u32 s1, $0xD;
	s1 =	sshrl.u32 s1, $0x2  }
0xbf: {  	s3 =	sand.u32 $0x4000, s31;
	s1 =	sadd.s32 s1, s30  }
0xc0: {  	s0 =	sor.u32 s3, s0;
	s1 =	sshll.u32 s1, $0x11  }
0xc1: {  	s0 =	sor.u32 s1, s0  }
0xc2: {  	s0 =	sadd.s32 $0x8F2B, s0  }
0xc3: {  	[sflag:s0] =	ssyncadd.remote.s32 $0x1  }
0xc4: {  	_ =	sfence.sel $0xFFFF  }
0xc5: {  	[dreg:$0x0] =	wrdreg $0xFFFFFFFF;
	(pc) =	sbr.abs _section_cstart, $3  }
0xc6: {  	[dreg:$0x1] =	wrdreg $0xFFFFFFFF  }
0xc7: {  	_ =	task.clear_ibuf [dreg:s7], $0x2FFFF;
	_ =	strace $0x9FFFFFFF  }
0xc8: {  	(tm) =	ssettm $0x7FFFFFFF  }
0xc9: {  	_ =	shalt  }
tec
execute0_lowered:
.L_overlay_start_1:
0x0: {  	(tag) =	ssettag $0x1  }
0x1: {  	s7 =	rddreg [dreg:$0x0]  }
0x2: {  	s2 =	rddreg [dreg:$0x1]  }
0x3: {  	s0 =	rddreg [dreg:$0x2]  }
0x4: {  	s1 =	srdreg.scid;
	_ =	strace $0x80000050;
	s4 =	simm.s32 $0x1  }
0x5: {  	s9 =	simm.s32 $0x3;
	s11 =	simm.s32 $0x0;
	s5 =	sshll.u32 s1, $0x4  }
.Ltmp0:
0x6: {  	s1 =	stileid.u32;
	s5 =	sand.u32 $0x10, s5;
	(pc) =	sbr.rel .LBB2_1-.Ltmp0, $4  }
0x7: {  	p0 =	por $0x0, $0x0;
	s3 =	sadd.s32 $0x8800, s7;
	s6 =	sor.u32 s1, s5  }
0x8: {  	[sflag:s4] =	ssyncpa.u1 $0x0;
	s5 =	simm.s32 $0x2;
	s6 =	sshll.u32 s6, $0x8  }
0x9: {  	s7 =	sadd.s32 $0x74800, s7;
	[sflag:s5] =	ssyncpa.u1 $0x0;
	s8 =	sadd.s32 $0x100, s6  }
0xa: {  	vm0 =	vmmov $0xff;
	vm1 =	vcmask $0x3F20;
	[sflag:s9] =	ssyncpa.u1 $0x0;
	s10 =	smov.u32 s6;
	s9 =	simm.s32 $0x0  }
.LBB2_9:
0xb: {  	p1 =	slt.u32 s9, $0x2;
	s11 =	sadd.s32 $0x80, s10  }
0xc: {  	s13 =	smov.u32 s6;
	s9 =	sadd.s32 $0x1, s9;
	p2 =	slt.s32 s11, s8  }
0xd: {  	s13 =	smov.u32 @p2 s11;
	p2 =	sne.s32 s9, $0x4  }
.Ltmp1:
0xe: {  	_ = 	snop;
	(pc) =	sbr.rel @!p2 .LBB2_10-.Ltmp1, $4  }
0xf: {  	s12 =	simm.s32 @!p1 $0x3  }
0x10: {  	_ =	swait.ge @!p1 [sflag:s12], $0xC000  }
0x11: {  	p0 =	por !p0, !p0;
	[sflag:s12] =	ssyncset.done @!p1 $0x0  }
0x12: {  	s11 =	smov.u32 s10;
	s10 =	smov.u32 s13;
	[sflag:s12] =	ssyncadd.s32 @!p1 $0xFFFF4000  }
.LBB2_1:
0x13: {  	p1 =	sgt.u32 s9, $0x1  }
0x14: {  	s12 =	sshll.u32 @!p1 s9, $0x7;
	s13 =	sshrl.u32 @!p1 s10, $0x3  }
0x15: {  	s14 =	sand.u32 @!p1 $0x7, s10;
	s12 =	sxor.u32 @!p1 $0x80, s12;
	s13 =	sadd.s32 @!p1 s2, s13  }
0x16: {  	[tilespmem:s12], [sflag:$0x2] =	stream.linear.gather @!p1 [hbm4b:s13+s14], $0x80, $0x38;
	[tilespmem:$0x18100] =	vst v63  }
0x17: {  	p1 =	seq.s32 s9, $0x0  }
0x18: {  	p2 =	seq.s32 @!p1 s9, $0x3  }
0x19: {  	p1 =	por p1, p2  }
.Ltmp2:
0x1a: {  	_ = 	snop;
	(pc) =	sbr.rel @p1 .LBB2_9-.Ltmp2, $1  }
0x1b: {  	_ =	sdelay $0x3  }
0x1c: {  	s12 =	simm.s32 $0x1  }
0x1d: {  	s12 =	simm.s32 @!p0 $0x0  }
0x1e: {  	s12 =	smul.u32 $0x30000, s12;
	_ =	sdelay $0x1  }
0x1f: {  	_ =	swait.ge [sflag:s5], $0x80;
	s13 =	sand.u32 $0x1, s9;
	s12 =	sshrl.u32 s12, $0x2  }
0x20: {  	s14 =	simm.s32 $0x0;
	[sflag:s5] =	ssyncset.done $0x0;
	s12 =	sor.u32 $0x100, s12  }
0x21: {  	s13 =	sshll.u32 s13, $0x7;
	[sflag:s5] =	ssyncadd.s32 $0xFFFFFF80;
	s15 =	smov.u32 s12  }
.LBB2_3:
0x22: {  	s16 =	sshll.u32 s14, $0x4  }
0x23: {  	s16 =	sand.u32 $0x3FFFFFF0, s16  }
0x24: {  	s16 =	sadd.s32 s16, s13  }
0x25: {  	v0 =	vld.msk [tilespmem:s16+$0x0 ss:$0x1], $0xffff;
	_ =	sdelay $0x4  }
0x26: {  	vm2 =	vgt.s32 v0, $0x0  }
0x27: {  	v0 =	vnsel vm2, $0x0, v0  }
0x28: {  	v0 =	vmin.u32 v0, $0x23FF  }
0x29: {  	v1 =	vshrl.u32 v0, $0x3  }
0x2a: {  	v0 =	vshll.u32 v0, $0x7;
	v1 =	vmul.u32 $0xC00, v1  }
0x2b: {  	v0 =	vand.u32 $0x380, v0  }
0x2c: {  	v0 =	vor.u32 v0, v1  }
0x2d: {  	v0 =	vshrl.u32 v0, $0x3;
	_ =	sdelay $0x3  }
0x2e: {  	s17 =	sadd.s32 $0x0, s15  }
0x2f: {  	[tilespmem:s17], [sflag:$0x1] =	stream.indirect_vreg.gather [hbm:s3], $0x80, v0, vm0, $0x38;
	[tilespmem:$0x18100] =	vst v63  }
0x30: {  	s16 =	simm.s32 $0x1000;
	v1 =	vadd.s32 $0x80, v0;
	s17 =	sadd.s32 $0xC00, s17  }
.LBB2_4:
0x31: {  	[tilespmem:s17], [sflag:$0x1] =	stream.indirect_vreg.gather [hbm:s3], $0x80, v0, vm1, $0x38;
	[tilespmem:$0x18100] =	vst v63  }
0x32: {  	v0 =	vmov v1;
	s17 =	smov.u32 s16;
	p1 =	sne.s32 s16, $0x2000  }
.Ltmp3:
0x33: {  	s16 =	sadd.s32 $0x1000, s16;
	(pc) =	sbr.rel @p1 .LBB2_4-.Ltmp3, $4  }
0x34: {  	s17 =	sshra.s32 s17, $0x2  }
0x35: {  	s17 =	sadd.s32 s17, s15  }
0x36: {  	[tilespmem:s17], [sflag:$0x1] =	stream.indirect_vreg.gather [hbm:s3], $0x80, v1, vm0, $0x38;
	[tilespmem:$0x18100] =	vst v63  }
0x37: {  	s17 =	sadd.s32 $0xC00, s17;
	v1 =	vadd.s32 $0x80, v1  }
0x38: {  	s14 =	sadd.s32 $0x1, s14  }
0x39: {  	p1 =	sne.s32 s14, $0x8  }
.Ltmp4:
0x3a: {  	_ = 	snop;
	(pc) =	sbr.rel @p1 .LBB2_3-.Ltmp4, $3  }
0x3b: {  	_ =	sdelay $0x1  }
0x3c: {  	[tilespmem:s17], [sflag:$0x1] =	stream.indirect_vreg.gather [hbm:s3], $0x80, v0, vm1, $0x38;
	[tilespmem:$0x18100] =	vst v63  }
0x3d: {  	s15 =	sadd.s32 $0x1800, s15  }
0x3e: {  	s13 =	sshrl.u32 s11, $0x3  }
0x3f: {  	s13 =	smul.u32 $0x180, s13  }
0x40: {  	s31 =	sshll.u32 s11, $0x4  }
0x41: {  	_ =	swait.ge [sflag:s4], $0xC000;
	s11 =	sand.u32 $0x70, s31;
	s13 =	sadd.s32 s13, s7  }
0x42: {  	s14 =	sadd.s32 $0xC00, s12;
	[sflag:s4] =	ssyncset.done $0x0;
	s11 =	sadd.s32 s11, s13  }
0x43: {  	[sflag:s4] =	ssyncadd.s32 $0xFFFF4000;
	s13 =	simm.s32 $0x180;
	s15 =	sadd.s32 $0x0, s11  }
.LBB2_7:
0x44: {  	[hbm:s15] =	stream.linear.scatter [tilespmem:s12], [sflag:$0x3], $0xC00, $0x38;
	[tilespmem:$0x18100] =	vst v63  }
0x45: {  	s15 =	smov.u32 s13;
	s12 =	smov.u32 s14;
	p1 =	sne.s32 s13, $0x1680  }
.Ltmp5:
0x46: {  	s13 =	sadd.s32 $0x180, s13;
	(pc) =	sbr.rel @p1 .LBB2_7-.Ltmp5, $2  }
0x47: {  	_ =	sdelay $0x2  }
0x48: {  	s14 =	sadd.s32 $0xC00, s14;
	s15 =	sadd.s32 s15, s11  }
.Ltmp6:
0x49: {  	(pc) =	sbr.rel .LBB2_9-.Ltmp6, $2  }
0x4a: {  	_ =	sdelay $0x2  }
0x4b: {  	[hbm:s15] =	stream.linear.scatter [tilespmem:s12], [sflag:$0x3], $0xC00, $0x38;
	[tilespmem:$0x18100] =	vst v63  }
.LBB2_10:
0x4c: {  	_ =	sfence.sel $0x180000  }
0x4d: {  	s2 =	simm.s32 $0x2;
	[bflag:$0x0] =	sbarrier.arrive $0xFFFF  }
0x4e: {  	s30 =	simm.s32 $0x3;
	[sflag:s2] =	ssyncpa.u1 $0x1  }
0x4f: {  	s31 =	simm.s32 $0x1;
	[sflag:s30] =	ssyncpa.u1 $0x1  }
0x50: {  	[sflag:s31] =	ssyncpa.u1 $0x1  }
0x51: {  	p0 =	sne.s32 s1, $0x0;
	_ =	strace $0x90000050  }
0x52: {  	s0 =	sadd.s32 @!p0 $0x100000, s0;
	[bflag:$0x2] =	sbarrier.arrive $0xFFFF  }
0x53: {  	[sflag:s0] =	ssyncadd.tile.s32 @!p0 $0x1;
	_ =	shalt  }
.Lfunc_end2:
_tile_overlayer_lowered:
.L_overlay_start_2:
0x54: {  	(tag) =	ssettag $0x2  }
0x55: {  	s0 =	rddreg [dreg:$0x0];
	s2 =	stileid.u32  }
0x56: {  	s1 =	rddreg [dreg:$0x1];
	p0 =	sne.s32 s2, $0x0  }
0x57: {  	s3 =	rddreg [dreg:$0x2];
	[bflag:$0x3] =	sbarrier.arrive $0xFFFF;
	s2 =	simm.s32 @!p0 $0x1C01  }
0x58: {  	[timem:s3], [sflag:s2] =	dma.local @!p0 [hbm:s0], s1  }
0x59: {  	s0 =	simm.s32 @!p0 $0x1  }
0x5a: {  	_ =	swait.ge @!p0 [sflag:s0], s1  }
0x5b: {  	s1 =	ssub.s32 @!p0 $0x0, s1;
	[sflag:s0] =	ssyncset.done @!p0 $0x0  }
0x5c: {  	[sflag:s0] =	ssyncadd.s32 @!p0 s1  }
0x5d: {  	[bflag:$0x3] =	sbarrier.arrive $0xFFFF  }
0x5e: {  	_ =	shalt  }

// kernel: gather_offload_async_start
scs
__scs_entry_jumppad:
0x0: {  	(pc) =	sbr.rel $0x88, $3  }
0x1: {  	(tag) =	ssettag $0x0;
	lr =	simm.s32 $0x1  }
0x2: {  	[smem:$0x3F69] =	sst lr;
	_ =	strace $0xD0000000  }
0x3: {  	_ = 	snop  }
0x4: {  	_ = 	snop  }
0x5: {  	_ = 	snop  }
0x6: {  	_ = 	snop  }
0x7: {  	_ = 	snop  }
__scs_overlays_trampoline_lowered:
0x8: {  	[smem:$0x3F78] =	sst s0  }
0x9: {  	[smem:$0x3F79] =	sst s1  }
0xa: {  	[smem:$0x3F7A] =	sst s2  }
0xb: {  	[smem:$0x3F7B] =	sst s3  }
0xc: {  	[smem:$0x3F7C] =	sst s4  }
0xd: {  	[smem:$0x3F7D] =	sst s5  }
0xe: {  	[smem:$0x3F7E] =	sst s6  }
0xf: {  	[smem:$0x3F7F] =	sst s7  }
0x10: {  	[smem:$0x3F80] =	sst s8  }
0x11: {  	[smem:$0x3F81] =	sst s9;
	s0 =	simm.s32 @!p0 $0x0  }
0x12: {  	s1 =	sld [smem:$0x3F67];
	s0 =	simm.s32 @p0 $0x1  }
0x13: {  	[smem:$0x3F82] =	sst s0;
	s0 =	simm.s32 @!p1 $0x0  }
0x14: {  	s2 =	sld [smem:$0x3F66];
	s0 =	simm.s32 @p1 $0x1  }
0x15: {  	[smem:$0x3F83] =	sst s0;
	s0 =	simm.s32 @!p2 $0x0  }
0x16: {  	s3 =	sld [smem:$0x3FDB];
	s0 =	simm.s32 @p2 $0x1  }
0x17: {  	s4 =	simm.s32 $0x1BF5;
	[smem:$0x3F85] =	sst s0  }
0x18: {  	s0 =	sld [smem:$0x3F68];
	_ =	swait.ge [sflag:s4], $0x0  }
0x19: {  	s7 =	sld [smem:$0x3F69]  }
0x1a: {  	s8 =	sadd.s32 $0xFFFFE003, lr  }
0x1b: {  	s9 =	sadd.s32 $0xFFFFFEF7, lr;
	s5 =	simm.s32 $0xFFFFFFFF;
	p2 =	slt.u32 s8, $0xFFFFF086  }
0x1c: {  	p1 =	slt.u32 s9, $0xF7A;
	s5 =	simm.s32 @!p2 $0x0  }
0x1d: {  	s5 =	simm.s32 @p1 $0x1;
	p0 =	seq.s32 s7, s2  }
0x1e: {  	s7 =	smul.u32 @!p0 $0xF7A, s2;
	p2 =	seq.s32 @!p0 s5, $0x0  }
0x1f: {  	s9 =	smul.u32 $0xF7A, s1;
	s8 =	simm.s32 @!p0 $0x1BF5;
	p2 =	por !p2, p0  }
0x20: {  	[sflag:s8] =	ssyncset.s32 @!p0 $0xFFFFF086;
	s6 =	sadd.s32 @!p0 s3, s7;
	s7 =	simm.s32 @!p0 $0x108  }
0x21: {  	s3 =	sadd.s32 s3, s9;
	s6 =	sadd.s32 @!p0 $0x88, s6;
	s7 =	simm.s32 @p2 $0x1082  }
0x22: {  	[simem:s7], [sflag:s8] =	dma.local @!p0 [hbm:s6], $0xF7A  }
0x23: {  	s9 =	sor.u32 $0xD0000000, s2;
	s6 =	simm.s32 $0x108;
	_ =	swait.ge @!p0 [sflag:s8], $0x0  }
0x24: {  	s3 =	sadd.s32 $0x88, s3;
	s6 =	simm.s32 @!p1 $0x1082;
	[sflag:s4] =	ssyncset.s32 $0xFFFFF086  }
0x25: {  	[simem:s6], [sflag:s4] =	dma.local [hbm:s3], $0xF7A  }
0x26: {  	[smem:$0x3F69] =	sst s1;
	(tag) =	ssettag s2;
	_ =	strace s9  }
0x27: {  	s1 =	sld [smem:$0x3F79]  }
0x28: {  	s2 =	sld [smem:$0x3F7A]  }
0x29: {  	s4 =	sld [smem:$0x3F7C]  }
0x2a: {  	p0 =	seq.s32 s5, $0x0;
	s5 =	sld [smem:$0x3F7D]  }
0x2b: {  	s6 =	sld [smem:$0x3F7E]  }
0x2c: {  	s7 =	sld [smem:$0x3F7F]  }
0x2d: {  	s3 =	simm.s32 $0x108;
	s8 =	sld [smem:$0x3F80]  }
0x2e: {  	s3 =	simm.s32 @!p0 $0x1082;
	s9 =	sld [smem:$0x3F81]  }
0x2f: {  	lr =	sadd.s32 s0, s3;
	s0 =	sld [smem:$0x3F78]  }
0x30: {  	s3 =	sld [smem:$0x3F7B]  }
0x31: {  	[smem:$0x3F84] =	sst s10  }
0x32: {  	s10 =	sld [smem:$0x3F82];
	_ =	sdelay $0x3  }
0x33: {  	p0 =	seq.s32 s10, $0x1;
	s10 =	sld [smem:$0x3F84];
	_ =	sdelay $0x3  }
0x34: {  	[smem:$0x3F84] =	sst s10  }
0x35: {  	s10 =	sld [smem:$0x3F83];
	_ =	sdelay $0x3  }
0x36: {  	p1 =	seq.s32 s10, $0x1;
	s10 =	sld [smem:$0x3F84];
	_ =	sdelay $0x3  }
0x37: {  	[smem:$0x3F84] =	sst s10  }
0x38: {  	s10 =	sld [smem:$0x3F85]  }
0x39: {  	_ = 	snop;
	(pc) =	sbr.ind lr, $3  }
0x3a: {  	_ = 	snop  }
0x3b: {  	_ = 	snop  }
0x3c: {  	p2 =	seq.s32 s10, $0x1;
	s10 =	sld [smem:$0x3F84]  }
0x3d: {  	_ =	shalt  }
0x3e: {  	_ =	shalt  }
0x3f: {  	_ =	shalt  }
0x40: {  	_ =	shalt  }
0x41: {  	_ =	shalt  }
0x42: {  	_ =	shalt  }
0x43: {  	_ =	shalt  }
0x44: {  	_ =	shalt  }
0x45: {  	_ =	shalt  }
0x46: {  	_ =	shalt  }
0x47: {  	_ =	shalt  }
0x48: {  	_ =	shalt  }
0x49: {  	_ =	shalt  }
0x4a: {  	_ =	shalt  }
0x4b: {  	_ =	shalt  }
0x4c: {  	_ =	shalt  }
0x4d: {  	_ =	shalt  }
0x4e: {  	_ =	shalt  }
0x4f: {  	_ =	shalt  }
0x50: {  	_ =	shalt  }
0x51: {  	_ =	shalt  }
0x52: {  	_ =	shalt  }
0x53: {  	_ =	shalt  }
0x54: {  	_ =	shalt  }
0x55: {  	_ =	shalt  }
0x56: {  	_ =	shalt  }
0x57: {  	_ =	shalt  }
0x58: {  	_ =	shalt  }
0x59: {  	_ =	shalt  }
0x5a: {  	_ =	shalt  }
0x5b: {  	_ =	shalt  }
0x5c: {  	_ =	shalt  }
0x5d: {  	_ =	shalt  }
0x5e: {  	_ =	shalt  }
0x5f: {  	_ =	shalt  }
0x60: {  	_ =	shalt  }
0x61: {  	_ =	shalt  }
0x62: {  	_ =	shalt  }
0x63: {  	_ =	shalt  }
0x64: {  	_ =	shalt  }
0x65: {  	_ =	shalt  }
0x66: {  	_ =	shalt  }
0x67: {  	_ =	shalt  }
0x68: {  	_ =	shalt  }
0x69: {  	_ =	shalt  }
0x6a: {  	_ =	shalt  }
0x6b: {  	_ =	shalt  }
0x6c: {  	_ =	shalt  }
0x6d: {  	_ =	shalt  }
0x6e: {  	_ =	shalt  }
0x6f: {  	_ =	shalt  }
0x70: {  	_ =	shalt  }
0x71: {  	_ =	shalt  }
0x72: {  	_ =	shalt  }
0x73: {  	_ =	shalt  }
0x74: {  	_ =	shalt  }
0x75: {  	_ =	shalt  }
0x76: {  	_ =	shalt  }
0x77: {  	_ =	shalt  }
0x78: {  	_ =	shalt  }
0x79: {  	_ =	shalt  }
0x7a: {  	_ =	shalt  }
0x7b: {  	_ =	shalt  }
0x7c: {  	_ =	shalt  }
0x7d: {  	_ =	shalt  }
0x7e: {  	_ =	shalt  }
0x7f: {  	_ =	shalt  }
0x80: {  	_ =	shalt  }
0x81: {  	_ =	shalt  }
0x82: {  	_ =	shalt  }
0x83: {  	_ =	shalt  }
0x84: {  	_ =	shalt  }
0x85: {  	_ =	shalt  }
0x86: {  	_ =	shalt  }
0x87: {  	_ =	shalt  }
.Lfunc_end0:
.L_simem_size_0:
called_computation_lowered:
.L_overlay_start_0:
0x88: {  	s2 =	sld [smem:$0x3FD9]  }
0x89: {  	s3 =	sld [smem:$0x3FFE];
	_ =	sdelay $0x1  }
0x8a: {  	s1 =	srdreg.scid  }
0x8b: {  	s0 =	sand.u32 $0x1, s1  }
0x8c: {  	s14 =	sshll.u32 s0, $0xA;
	s2 =	sadd.s32 s3, s2  }
0x8d: {  	s2 =	sadd.s32 s2, s14  }
0x8e: {  	[smem:$0x3F90] =	sst s2  }
0x8f: {  	_ = 	snop  }
0x90: {  	s2 =	sld [smem:$0x3FD0];
	_ =	sdelay $0x2  }
0x91: {  	s15 =	simm.s32 $0xB;
	s4 =	simm.s32 $0x10  }
0x92: {  	[smem:s4], [sflag:s15] =	dma.local [hbm:s2], $0x1  }
0x93: {  	_ =	swait.eq [sflag:s15], $0x1  }
0x94: {  	[sflag:s15] =	ssyncset.done $0x0  }
0x95: {  	s16 =	sld [smem:$0x10];
	[sflag:s15] =	ssyncadd.s32 $0xFFFFFFFF  }
0x96: {  	s17 =	sld [smem:$0x12];
	(tm) =	ssettm $0x1  }
0x97: {  	s18 =	sld [smem:$0x3FFB];
	_ =	sdelay $0x3  }
0x98: {  	_ =	strace s18  }
0x99: {  	s4 =	sld [smem:$0x3FFC];
	_ =	sdelay $0x3  }
0x9a: {  	_ =	strace s4  }
0x9b: {  	s4 =	sld [smem:$0x3FFD];
	_ =	sdelay $0x3  }
0x9c: {  	_ =	strace s4  }
0x9d: {  	_ =	strace $0x8FFFFFFF  }
0x9e: {  	s19 =	sld [smem:$0x3FDB];
	_ =	sdelay $0x1  }
0x9f: {  	s5 =	simm.s32 $_scs_section_size  }
0xa0: {  	s6 =	simm.s32 $_size__tile_overlayer_lowered;
	s7 =	simm.s32 $_tile_overlayer_lowered  }
0xa1: {  	s22 =	simm.s32 $0x1BFF;
	s21 =	sshll.u32 s7, $0x1;
	s4 =	sadd.s32 s5, s19  }
0xa2: {  	s8 =	simm.s32 $0x0;
	s20 =	sshll.u32 s6, $0x1;
	s6 =	sadd.s32 s21, s4  }
0xa3: {  	[timem:s8], [sflag:s22] =	dma.local [hbm:s6], s20  }
0xa4: {  	_ =	swait.ge [sflag:s22], s20  }
0xa5: {  	s5 =	ssub.s32 $0x0, s20;
	[sflag:s22] =	ssyncset.done $0x0  }
0xa6: {  	[sflag:s22] =	ssyncadd.s32 s5;
	_ =	sdelay $0x1  }
0xa7: {  	s23 =	simm.s32 $0x1B8B  }
0xa8: {  	_ =	swait.ge [sflag:s23], $0x1  }
0xa9: {  	[sflag:s23] =	ssyncset.done $0x0  }
0xaa: {  	s25 =	simm.s32 $0x1B8E;
	s24 =	sld [smem:$0x3FFE];
	[sflag:s23] =	ssyncadd.s32 $0xFFFFFFFF  }
0xab: {  	s26 =	simm.s32 $execute0_lowered;
	[smem:$0x3FD2] =	sst s25  }
0xac: {  	s6 =	sshll.u32 s26, $0x1;
	_ =	strace $0x80000046;
	[dreg:$0x1] =	wrdreg $0xFFFFFFFF  }
0xad: {  	s28 =	simm.s32 $_size_execute0_lowered;
	s4 =	sadd.s32 s4, s6;
	[dreg:$0x0] =	wrdreg $0x0  }
0xae: {  	s6 =	sshll.u32 s28, $0x1;
	[dreg:$0x2] =	wrdreg s4  }
0xaf: {  	[dreg:$0x3] =	wrdreg s6  }
0xb0: {  	[dreg:$0x4] =	wrdreg $0xC0  }
0xb1: {  	_ =	task [dreg:s8], $0x5FFFF  }
0xb2: {  	[dreg:$0x1] =	wrdreg $0xFFFFFFFF  }
0xb3: {  	[dreg:$0x0] =	wrdreg $0x60  }
0xb4: {  	[dreg:$0x2] =	wrdreg s17  }
0xb5: {  	[dreg:$0x3] =	wrdreg s16  }
0xb6: {  	[dreg:$0x4] =	wrdreg s24  }
0xb7: {  	[dreg:$0x5] =	wrdreg $0x9  }
0xb8: {  	_ =	task.clear_ibuf [dreg:s8], $0x6FFFF;
	_ =	strace $0x90000046  }
0xb9: {  	s29 =	simm.s32 $0x9;
	_ =	strace $0x80000048  }
0xba: {  	_ =	swait.ge [sflag:s29], $0x1  }
0xbb: {  	[sflag:s29] =	ssyncadd.s32 $0xFFFFFFFF  }
0xbc: {  	_ =	strace $0x90000048  }
0xbd: {  	_ =	sfence  }
0xbe: {  	s30 =	sld [smem:$0x0];
	_ =	sdelay $0x2  }
0xbf: {  	s31 =	sshll.u32 s1, $0xD;
	s1 =	sshrl.u32 s1, $0x2  }
0xc0: {  	s3 =	sand.u32 $0x4000, s31;
	s1 =	sadd.s32 s1, s30  }
0xc1: {  	s0 =	sor.u32 s3, s0;
	s1 =	sshll.u32 s1, $0x11  }
0xc2: {  	s0 =	sor.u32 s1, s0  }
0xc3: {  	s0 =	sadd.s32 $0x8F2B, s0  }
0xc4: {  	[sflag:s0] =	ssyncadd.remote.s32 $0x1  }
0xc5: {  	_ =	sfence.sel $0xFFFF  }
0xc6: {  	[dreg:$0x0] =	wrdreg $0xFFFFFFFF;
	(pc) =	sbr.abs _section_cstart, $3  }
0xc7: {  	[dreg:$0x1] =	wrdreg $0xFFFFFFFF  }
0xc8: {  	_ =	task.clear_ibuf [dreg:s8], $0x2FFFF;
	_ =	strace $0x9FFFFFFF  }
0xc9: {  	(tm) =	ssettm $0x7FFFFFFF  }
tec
execute0_lowered:
.L_overlay_start_1:
0x0: {  	(tag) =	ssettag $0x1  }
0x1: {  	s2 =	rddreg [dreg:$0x0]  }
0x2: {  	s1 =	srdreg.scid;
	s3 =	rddreg [dreg:$0x1]  }
0x3: {  	s0 =	stileid.u32;
	s5 =	rddreg [dreg:$0x2]  }
0x4: {  	s9 =	simm.s32 $0x1;
	s10 =	simm.s32 $0x3;
	s1 =	sshll.u32 s1, $0x7  }
0x5: {  	s13 =	simm.s32 $0x0;
	s4 =	sshll.u32 s0, $0x8;
	s6 =	sand.u32 $0x80, s1  }
0x6: {  	s12 =	simm.s32 $0x0;
	s5 =	sadd.s32 $0x289000, s5;
	s4 =	sor.u32 s4, s6  }
0x7: {  	s1 =	rddreg [dreg:$0x3];
	_ =	strace $0x80000047;
	s8 =	ssub.s32 $0x2000, s4  }
.Ltmp0:
0x8: {  	s6 =	simm.s32 $0x1;
	s7 =	sand.u32 $0xF80, s8;
	(pc) =	sbr.rel .LBB2_1-.Ltmp0, $4  }
0x9: {  	[sflag:s6] =	ssyncpa.u1 $0x0;
	s11 =	smov.u32 s4;
	p0 =	sne.s32 s7, $0x0  }
0xa: {  	s8 =	sshrl.u32 s8, $0xC;
	s7 =	simm.s32 $0x2;
	s9 =	simm.s32 @!p0 $0x0  }
0xb: {  	[sflag:s7] =	ssyncpa.u1 $0x0;
	p0 =	por $0x0, $0x0;
	s8 =	sadd.s32 s9, s8  }
0xc: {  	vm0 =	vmmov $0xffff;
	[sflag:s10] =	ssyncpa.u1 $0x0;
	s10 =	simm.s32 $0x0;
	s9 =	sadd.s32 $0x1, s8  }
.LBB2_4:
0xd: {  	vm1 =	veq.s32 v0, $0x80000000;
	v63 =	vand.u32 $0xFF, v0;
	v2 =	vand.u32 $0x3F, v2  }
0xe: {  	v0 =	vsel vm1, $0xFFFFFFFF, v63;
	v2 =	vsel vm1, $0xFFFFFFFF, v2  }
0xf: {  	v3 =	vshll.u32 v2, $0x8;
	v4 =	vshll.u32 v0, $0x3  }
0x10: {  	v2 =	vshll.u32 v2, $0x7;
	v3 =	vand.u32 $0xFFFFF800, v3;
	v4 =	vand.u32 $0xFFFFFC00, v4  }
0x11: {  	v2 =	vand.u32 $0x380, v2;
	v3 =	vadd.s32 v4, v3  }
0x12: {  	v0 =	vand.u32 $0x7F, v0;
	v2 =	vor.u32 v2, v3  }
0x13: {  	v0 =	vor.u32 v0, v2;
	_ =	sdelay $0x1  }
0x14: {  	(ifvalue) =	ssetifvalue $0x7FFFFFFF;
	s14 =	sadd.s32 $0x10, s14  }
0x15: {  	[tilespmem:s14], [sflag:$0x1] =	stream.indirect_vreg.gather [hbm4b:s2+s10], $0x1, v1, vm0, $0x4038;
	[tilespmem:$0x200] =	vst v63  }
0x16: {  	(ifvalue) =	ssetifvalue $0x7FFFFFFF;
	s14 =	sadd.s32 $0x10, s14  }
0x17: {  	[tilespmem:s14], [sflag:$0x1] =	stream.indirect_vreg.gather [hbm4b:s2+s10], $0x1, v0, vm0, $0x4038;
	[tilespmem:$0x200] =	vst v63  }
0x18: {  	_ =	swait.ge [sflag:s6], $0x80  }
0x19: {  	s30 =	sshrl.u32 s13, $0x3;
	[sflag:s6] =	ssyncset.done $0x0  }
0x1a: {  	s31 =	sand.u32 $0x7, s13;
	s14 =	sadd.s32 s5, s30;
	[sflag:s6] =	ssyncadd.s32 $0xFFFFFF80  }
0x1b: {  	[hbm4b:s14+s31] =	stream.linear.scatter [tilespmem:s15], [sflag:$0x3], $0x80, $0x38;
	[tilespmem:$0x200] =	vst v63  }
.LBB2_5:
0x1c: {  	s15 =	sadd.s32 $0x1000, s11  }
0x1d: {  	p2 =	sgt.s32 s15, $0x1FFF  }
0x1e: {  	s15 =	smov.u32 @p2 s4;
	p2 =	sne.s32 s12, s9  }
.Ltmp1:
0x1f: {  	p1 =	slt.u32 s12, $0x2;
	(pc) =	sbr.rel @!p2 .LBB2_6-.Ltmp1, $4  }
0x20: {  	s14 =	simm.s32 @!p1 $0x3  }
0x21: {  	s16 =	sadd.s32 $0x1, s12;
	_ =	swait.ge @!p1 [sflag:s14], $0x80  }
0x22: {  	s13 =	smov.u32 s11;
	p0 =	por !p0, !p0;
	[sflag:s14] =	ssyncset.done @!p1 $0x0  }
0x23: {  	s12 =	smov.u32 s16;
	s11 =	smov.u32 s15;
	[sflag:s14] =	ssyncadd.s32 @!p1 $0xFFFFFF80  }
.LBB2_1:
0x24: {  	p1 =	sge.u32 s12, s8  }
0x25: {  	s14 =	sxor.u32 @!p1 $0xFFFFFFFF, s12  }
0x26: {  	s31 =	sadd.s32 $0xFFFFFFFF, s12;
	s15 =	sshrl.u32 @!p1 s11, $0x3;
	s14 =	sshll.u32 @!p1 s14, $0x7  }
0x27: {  	s16 =	sand.u32 @!p1 $0x7, s11;
	s15 =	sadd.s32 @!p1 s3, s15;
	s14 =	sand.u32 @!p1 $0x80, s14  }
0x28: {  	[tilespmem:s14], [sflag:$0x2] =	stream.linear.gather @!p1 [hbm4b:s15+s16], $0x80, $0x38;
	[tilespmem:$0x200] =	vst v63  }
0x29: {  	p1 =	sge.u32 s31, s8  }
.Ltmp2:
0x2a: {  	_ = 	snop;
	(pc) =	sbr.rel @p1 .LBB2_5-.Ltmp2, $1  }
0x2b: {  	_ =	sdelay $0x3  }
0x2c: {  	s14 =	simm.s32 $0x1  }
0x2d: {  	_ =	swait.ge [sflag:s7], $0x80;
	s14 =	simm.s32 @!p0 $0x0  }
0x2e: {  	[sflag:s7] =	ssyncset.done $0x0;
	s14 =	sshll.u32 s14, $0x7  }
0x2f: {  	[sflag:s7] =	ssyncadd.s32 $0xFFFFFF80;
	(ifvalue) =	ssetifvalue $0x7FFFFFFF;
	v0 =	vld.msk [tilespmem:s14+$0x0 ss:$0x1], $0xffff;
	_ =	sdelay $0x4  }
0x30: {  	s15 =	sadd.s32 $0x10, s14;
	v1 =	vshrl.u32 v0, $0x8  }
0x31: {  	v2 =	vld.msk [tilespmem:s15+$0x0 ss:$0x1], $0xffff;
	vm1 =	veq.s32 v0, $0x80000000;
	v0 =	vand.u32 $0xFF, v0;
	v1 =	vand.u32 $0x3F, v1  }
0x32: {  	v0 =	vsel vm1, $0xFFFFFFFF, v0;
	v1 =	vsel vm1, $0xFFFFFFFF, v1  }
0x33: {  	v4 =	vshll.u32 v0, $0x3;
	v3 =	vshll.u32 v1, $0x8  }
0x34: {  	v4 =	vand.u32 $0xFFFFFC00, v4;
	v1 =	vshll.u32 v1, $0x7;
	v3 =	vand.u32 $0xFFFFF800, v3  }
0x35: {  	v0 =	vand.u32 $0x7F, v0;
	v1 =	vand.u32 $0x380, v1;
	v3 =	vadd.s32 v4, v3  }
0x36: {  	vm1 =	veq.s32 v2, $0x80000000;
	v1 =	vor.u32 v1, v3;
	v3 =	vshrl.u32 v2, $0x8  }
0x37: {  	s17 =	sadd.s32 $0x10, s15;
	v2 =	vand.u32 $0xFF, v2;
	v1 =	vor.u32 v0, v1;
	v3 =	vand.u32 $0x3F, v3  }
0x38: {  	v0 =	vld.msk [tilespmem:s17+$0x0 ss:$0x1], $0xffff;
	v2 =	vsel vm1, $0xFFFFFFFF, v2;
	v3 =	vsel vm1, $0xFFFFFFFF, v3  }
0x39: {  	v5 =	vshll.u32 v2, $0x3;
	v63 =	vshll.u32 v3, $0x8  }
0x3a: {  	s31 =	sshll.u32 s12, $0x7;
	v5 =	vand.u32 $0xFFFFFC00, v5;
	v3 =	vshll.u32 v3, $0x7;
	v4 =	vand.u32 $0xFFFFF800, v63  }
0x3b: {  	s14 =	sor.u32 $0x100, s14;
	s15 =	sand.u32 $0x80, s31;
	(ifvalue) =	ssetifvalue $0x7FFFFFFF;
	v3 =	vand.u32 $0x380, v3;
	v4 =	vadd.s32 v5, v4  }
0x3c: {  	[tilespmem:s14], [sflag:$0x1] =	stream.indirect_vreg.gather [hbm4b:s2+s10], $0x1, v1, vm0, $0x4038;
	v1 =	vand.u32 $0x7F, v2;
	v3 =	vor.u32 v3, v4;
	[tilespmem:$0x200] =	vst v63  }
0x3d: {  	s16 =	simm.s32 $0x20;
	s15 =	sor.u32 $0x100, s15;
	s17 =	sadd.s32 $0x10, s17;
	v2 =	vshrl.u32 v0, $0x8;
	v1 =	vor.u32 v1, v3  }
.LBB2_3:
0x3e: {  	s16 =	sadd.s32 $0x10, s16;
	vm1 =	veq.s32 v0, $0x80000000;
	v3 =	vand.u32 $0xFF, v0;
	v0 =	vld.msk [tilespmem:s17+$0x0 ss:$0x1], $0xffff;
	v2 =	vand.u32 $0x3F, v2  }
0x3f: {  	p1 =	slt.u32 s16, $0x70;
	v3 =	vsel vm1, $0xFFFFFFFF, v3;
	v2 =	vsel vm1, $0xFFFFFFFF, v2  }
.Ltmp3:
0x40: {  	v4 =	vshll.u32 v2, $0x8;
	v5 =	vshll.u32 v3, $0x3;
	(pc) =	sbr.rel @p1 .LBB2_3-.Ltmp3, $4  }
0x41: {  	s14 =	sadd.s32 $0x10, s14;
	v2 =	vshll.u32 v2, $0x7;
	v4 =	vand.u32 $0xFFFFF800, v4;
	v5 =	vand.u32 $0xFFFFFC00, v5;
	(ifvalue) =	ssetifvalue $0x7FFFFFFF  }
0x42: {  	v2 =	vand.u32 $0x380, v2;
	v4 =	vadd.s32 v5, v4;
	[tilespmem:s14], [sflag:$0x1] =	stream.indirect_vreg.gather [hbm4b:s2+s10], $0x1, v1, vm0, $0x4038;
	[tilespmem:$0x200] =	vst v63  }
0x43: {  	v1 =	vand.u32 $0x7F, v3;
	v3 =	vor.u32 v2, v4  }
0x44: {  	s17 =	sadd.s32 $0x10, s17;
	v2 =	vshrl.u32 v0, $0x8;
	v1 =	vor.u32 v1, v3  }
.Ltmp4:
0x45: {  	_ = 	snop;
	(pc) =	sbr.rel .LBB2_4-.Ltmp4, $1  }
0x46: {  	_ =	sdelay $0x3  }
.LBB2_6:
0x47: {  	_ =	sfence.sel $0x180000  }
0x48: {  	s2 =	simm.s32 $0x2;
	[bflag:$0x0] =	sbarrier.arrive $0xFFFF  }
0x49: {  	s30 =	simm.s32 $0x3;
	[sflag:s2] =	ssyncpa.u1 $0x1  }
0x4a: {  	s31 =	simm.s32 $0x1;
	[sflag:s30] =	ssyncpa.u1 $0x1  }
0x4b: {  	[sflag:s31] =	ssyncpa.u1 $0x1  }
0x4c: {  	p0 =	sne.s32 s0, $0x0;
	_ =	strace $0x90000047  }
0x4d: {  	s0 =	sadd.s32 @!p0 $0x100000, s1;
	[bflag:$0x2] =	sbarrier.arrive $0xFFFF  }
0x4e: {  	[sflag:s0] =	ssyncadd.tile.s32 @!p0 $0x1;
	_ =	shalt  }
.Lfunc_end2:
_tile_overlayer_lowered:
.L_overlay_start_2:
0x4f: {  	(tag) =	ssettag $0x2  }
0x50: {  	s0 =	rddreg [dreg:$0x0];
	s2 =	stileid.u32  }
0x51: {  	s1 =	rddreg [dreg:$0x1];
	p0 =	sne.s32 s2, $0x0  }
0x52: {  	s3 =	rddreg [dreg:$0x2];
	[bflag:$0x3] =	sbarrier.arrive $0xFFFF;
	s2 =	simm.s32 @!p0 $0x1C01  }
0x53: {  	[timem:s3], [sflag:s2] =	dma.local @!p0 [hbm:s0], s1  }
0x54: {  	s0 =	simm.s32 @!p0 $0x1  }
0x55: {  	_ =	swait.ge @!p0 [sflag:s0], s1  }
0x56: {  	s1 =	ssub.s32 @!p0 $0x0, s1;
	[sflag:s0] =	ssyncset.done @!p0 $0x0  }
0x57: {  	[sflag:s0] =	ssyncadd.s32 @!p0 s1  }
0x58: {  	[bflag:$0x3] =	sbarrier.arrive $0xFFFF  }
0x59: {  	_ =	shalt  }

</sc_bundles>
